<compile_context>
chip_gen: v7x
topology: tpu7x:2x2x1
jax: 0.10.2.dev20260603
libtpu: 0.0.44.dev20260713+nightly
codegen_flags: <defaults>
</compile_context>

<pallas_src>
import functools

import jax
import jax.numpy as jnp
from jax import lax
from jax.experimental import pallas as pl
from jax.experimental.pallas import tpu as pltpu
from jax.experimental.pallas import tpu_sc as plsc

BATCH = 16384
DIM = 64
NUM_TBL = 1000000
PHYS_COLS = 1000064
NUM_CORES = 2
NUM_SUBCORES = 16
NUM_WORKERS = NUM_CORES * NUM_SUBCORES
R_COLS = 31360
BLK = 512
NBLK = R_COLS // BLK + 1
NRING = 3
LAST_SO = PHYS_COLS - BLK
HITCAP = 2048
DUMP_ROW = BATCH
STAGE = 16
SENTINEL = 2**30


def _emb_body(idx_hbm, wt_hbm, out_hbm, idx_v, blkbuf, hits, tmp,
              rowstage, bidx, sems, scat_sems, nf_ref):
    wid = lax.axis_index("s") * NUM_CORES + lax.axis_index("c")
    w_lo = wid * R_COLS
    w_hi = jnp.minimum(w_lo + R_COLS, NUM_TBL)
    lane = lax.iota(jnp.int32, 16)

    def fetch(g, buf):
        s = w_lo + g * BLK

        @pl.when(s < NUM_TBL)
        def _():
            so = pl.multiple_of(jnp.minimum(s, LAST_SO), 128)
            for a in range(DIM // 8):
                pltpu.async_copy(
                    wt_hbm.at[pl.ds(8 * a, 8), pl.ds(so, BLK)],
                    blkbuf.at[buf, pl.ds(8 * a, 8)],
                    sems.at[buf],
                )

    def wait_fetch(g, buf):
        s = w_lo + g * BLK

        @pl.when(s < NUM_TBL)
        def _():
            pltpu.make_async_copy(
                wt_hbm.at[:, pl.ds(0, BLK)], blkbuf.at[buf], sems.at[buf]
            ).wait()

    for g in range(NRING):
        fetch(g, g)

    pltpu.sync_copy(idx_hbm, idx_v)

    def scan_body(v, n):
        hv = idx_v[pl.ds(v * 16, 16)]
        m = jnp.logical_and(hv >= w_lo, hv < w_hi)
        cnt = plsc.all_reduce_population_count(m)[0]

        @pl.when(cnt > 0)
        def _():
            packed = (hv - w_lo) | ((v * 16 + lane) << 15)
            plsc.store_compressed(hits.at[pl.ds(n, 16)], packed, mask=m)

        return jnp.minimum(n + cnt, HITCAP - 16)

    n_hits = lax.fori_loop(0, BATCH // 16, scan_body, 0)
    hits[pl.ds(n_hits, 16)] = jnp.full((16,), SENTINEL, jnp.int32)
    n_hvregs = (n_hits + 15) >> 4

    bidx[0] = jnp.full((16,), jnp.int32(DUMP_ROW))
    bidx[1] = jnp.full((16,), jnp.int32(DUMP_ROW))
    nf_ref[0] = 0

    def scalar_at(ref, k):
        return plsc.load_gather(ref, [jnp.full((16,), k, jnp.int32)])[0]

    dvecs = [16 * q + lane for q in range(4)]

    def wait_scat(p):
        pltpu.make_async_copy(
            rowstage.at[p], out_hbm.at[bidx.at[p]], scat_sems.at[p]
        ).wait()

    def flush():
        nf = nf_ref[0]
        p = lax.rem(nf, 2)
        pltpu.async_copy(rowstage.at[p], out_hbm.at[bidx.at[p]],
                         scat_sems.at[p])
        nf_ref[0] = nf + 1

    def block_body(g, slot):
        buf = lax.rem(g, NRING)
        wait_fetch(g, buf)
        s = w_lo + g * BLK
        so = jnp.minimum(s, LAST_SO)
        rel_so = so - w_lo
        bufv = jnp.full((16,), buf, jnp.int32)

        def match_body(v, slot):
            hp = hits[pl.ds(v * 16, 16)]
            m = (jnp.bitwise_and(hp, 0x7FFF) >> 9) == g
            cnt = plsc.all_reduce_population_count(m)[0]
            plsc.store_compressed(tmp.at[pl.ds(0, 16)], hp, mask=m)

            def ext_cond(carry):
                k, _ = carry
                return k < cnt

            def ext_body(carry):
                k, slot = carry
                nf = nf_ref[0]
                p = lax.rem(nf, 2)

                @pl.when(slot == 0)
                def _():
                    @pl.when(nf >= 2)
                    def _():
                        wait_scat(p)

                    bidx[p] = jnp.full((16,), jnp.int32(DUMP_ROW))

                hp_k = scalar_at(tmp, k)
                l = jnp.bitwise_and(hp_k, 0x7FFF) - rel_so
                b = hp_k >> 15
                lv = jnp.full((16,), l, jnp.int32)
                for q in range(4):
                    g16 = plsc.load_gather(blkbuf, [bufv, dvecs[q], lv])
                    rowstage[p, slot, pl.ds(16 * q, 16)] = g16
                plsc.store_scatter(bidx.at[p],
                                   [jnp.full((16,), slot, jnp.int32)],
                                   jnp.full((16,), b, jnp.int32),
                                   mask=lane == 0)
                slot = slot + 1

                @pl.when(slot == STAGE)
                def _():
                    flush()

                return k + 1, lax.rem(slot, STAGE)

            _, slot = lax.while_loop(ext_cond, ext_body, (0, slot))
            return slot

        slot = lax.fori_loop(0, n_hvregs, match_body, slot)

        @pl.when(g + NRING < NBLK)
        def _():
            fetch(g + NRING, buf)

        return slot

    slot = lax.fori_loop(0, NBLK, block_body, 0)

    @pl.when(slot > 0)
    def _():
        flush()

    nf_end = nf_ref[0]

    @pl.when(nf_end >= 1)
    def _():
        wait_scat(lax.rem(nf_end - 1, 2))

    @pl.when(nf_end >= 2)
    def _():
        wait_scat(lax.rem(nf_end - 2, 2))


@jax.jit
def _embed(indices, weight):
    mesh = plsc.VectorSubcoreMesh(core_axis_name="c", subcore_axis_name="s")
    out_pad = pl.kernel(
        _emb_body,
        mesh=mesh,
        out_type=jax.ShapeDtypeStruct((BATCH + 128, 128), jnp.float32),
        scratch_types=[
            pltpu.VMEM((BATCH,), jnp.int32),
            pltpu.VMEM((NRING, DIM, BLK), jnp.float32),
            pltpu.VMEM((HITCAP,), jnp.int32),
            pltpu.VMEM((16,), jnp.int32),
            pltpu.VMEM((2, STAGE, 128), jnp.float32),
            pltpu.VMEM((2, 16), jnp.int32),
            pltpu.SemaphoreType.DMA((NRING,)),
            pltpu.SemaphoreType.DMA((2,)),
            pltpu.SMEM((1,), jnp.int32),
        ],
        compiler_params=pltpu.CompilerParams(
            use_tc_tiling_on_sc=True, needs_layout_passes=False
        ),
    )(indices, weight.T)
    return out_pad[:BATCH, :DIM]


def kernel(indices, weight):
    return _embed(indices.astype(jnp.int32), weight)

# --- scband reference (transcript-rebuilt; emitter-appended) ---
"""Pipeline reference for scband-embedding-48842368090599 (READ-ONLY COPY).

The authoritative reference and input builder live on the scoring server;
editing this copy changes nothing except your own understanding.
"""

import jax, jax.numpy as jnp
import numpy as np

NUM_EMBEDDINGS = 1000000
EMBEDDING_DIM = 64
BATCH = 16384

def setup_inputs(seed: int = 0) -> dict:
    key = jax.random.key(seed)
    k_idx, k_w = jax.random.split(key)
    indices = jax.random.randint(k_idx, (BATCH,), 0, NUM_EMBEDDINGS, dtype=jnp.int64 if jax.config.jax_enable_x64 else jnp.int32)
    weight = jax.random.normal(k_w, (NUM_EMBEDDINGS, EMBEDDING_DIM), dtype=jnp.float32)
    return {"indices": indices, "weight": weight}

def reference(indices, weight):
    # Embedding.forward: x = self._embeddings(indices); normalizer is None (default)
    x = jnp.take(weight, indices, axis=0)
    return x

if __name__ == "__main__":
    import jax
    _d = setup_inputs()
    print(jax.jit(kernel)(*tuple(_d.values())))

</pallas_src>

<mosaic_0001>
#map = affine_map<(d0, d1) -> (0)>
#map1 = affine_map<(d0, d1) -> (0, 0)>
module attributes {stable_mosaic.version = 14 : i64} {
  func.func @_emb_body(%arg0: i32, %arg1: i32, %arg2: memref<16384xi32, #tpu.memory_space<hbm>>, %arg3: memref<64x1000000xf32, #tpu.memory_space<hbm>>, %arg4: memref<16512x128xf32, #tpu.memory_space<hbm>>, %arg5: memref<16384xi32, #tpu.memory_space<vmem>>, %arg6: memref<3x64x512xf32, #tpu.memory_space<vmem>>, %arg7: memref<2048xi32, #tpu.memory_space<vmem>>, %arg8: memref<16xi32, #tpu.memory_space<vmem>>, %arg9: memref<2x16x128xf32, #tpu.memory_space<vmem>>, %arg10: memref<2x16xi32, #tpu.memory_space<vmem>>, %arg11: memref<3x!tpu.dma_semaphore, #tpu.memory_space<semaphore_mem>>, %arg12: memref<2x!tpu.dma_semaphore, #tpu.memory_space<semaphore_mem>>, %arg13: memref<1xi32, #tpu.memory_space<smem>>) attributes {dimension_semantics = [#tpu.dimension_semantics<core_parallel>, #tpu.dimension_semantics<subcore_parallel>], iteration_bounds = array<i64: 2, 16>, scalar_prefetch = 0 : i64, scratch_operands = 9 : i64, tpu.core_type = #tpu.core_type<sc_vector_subcore>, window_params = [{transform_indices = #map}, {transform_indices = #map1}, {transform_indices = #map1}]} {
    %mul3A = arith.constant 2 : i32
    %mul3A_0 = arith.muli %arg1, %mul3A : i32
    %add3A = arith.addi %mul3A_0, %arg0 : i32
    %mul3A_1 = arith.constant 31360 : i32
    %mul3A_2 = arith.muli %add3A, %mul3A_1 : i32
    %add3A_3 = arith.constant 31360 : i32
    %add3A_4 = arith.addi %mul3A_2, %add3A_3 : i32
    %min3A = arith.constant 1000000 : i32
    %min3A_5 = arith.minsi %add3A_4, %min3A : i32
    %iota3A = tpu.iota {dimensions = array<i32: 0>} : vector<16xi32>
    %add3A_6 = arith.constant 0 : i32
    %add3A_7 = arith.addi %mul3A_2, %add3A_6 : i32
    %lt3A = arith.constant 1000000 : i32
    %lt3A_8 = arith.cmpi slt, %add3A_7, %lt3A : i32
    %convert_element_type3A = arith.extui %lt3A_8 : i1 to i32
    %cond3A = arith.constant 0 : i32
    %cond3A_9 = arith.cmpi ne, %convert_element_type3A, %cond3A : i32
    scf.if %cond3A_9 {
      %min3A_85 = arith.constant 999552 : i32
      %min3A_86 = arith.minsi %add3A_7, %min3A_85 : i32
      %multiple_of3A = tpu.assume_multiple %min3A_86, 128 : i32
      %dma_start3A = arith.constant 0 : i32
      %dma_start3A_87 = arith.constant 0 : i32
      %dma_start3A_88 = arith.constant 0 : i32
      %dma_start3A_89 = arith.constant 0 : i32
      %dma_start3A_90 = tpu.memref_slice %arg6[%dma_start3A, %dma_start3A_88, %dma_start3A_89] : memref<3x64x512xf32, #tpu.memory_space<vmem>> -> memref<1x8x512xf32, #tpu.memory_space<vmem>>
      %dma_start3A_91 = tpu.memref_squeeze %dma_start3A_90 : memref<1x8x512xf32, #tpu.memory_space<vmem>> -> memref<8x512xf32, #tpu.memory_space<vmem>>
      %dma_start3A_92 = arith.constant 0 : i32
      %dma_start3A_93 = tpu.memref_slice %arg3[%dma_start3A_92, %multiple_of3A] : memref<64x1000000xf32, #tpu.memory_space<hbm>> -> memref<8x512xf32, #tpu.memory_space<hbm>>
      %dma_start3A_94 = tpu.memref_slice %arg11[%dma_start3A_87] : memref<3x!tpu.dma_semaphore, #tpu.memory_space<semaphore_mem>> -> memref<1x!tpu.dma_semaphore, #tpu.memory_space<semaphore_mem>>
      %dma_start3A_95 = tpu.memref_squeeze %dma_start3A_94 : memref<1x!tpu.dma_semaphore, #tpu.memory_space<semaphore_mem>> -> memref<!tpu.dma_semaphore, #tpu.memory_space<semaphore_mem>>
      %dma_start3A_96 = arith.constant 0 : i32
      %dma_start3A_97 = arith.constant 0 : i32
      %dma_start3A_98 = tpu.memref_slice %arg6[%dma_start3A, %dma_start3A_96, %dma_start3A_97] : memref<3x64x512xf32, #tpu.memory_space<vmem>> -> memref<1x8x512xf32, #tpu.memory_space<vmem>>
      %dma_start3A_99 = tpu.memref_squeeze %dma_start3A_98 : memref<1x8x512xf32, #tpu.memory_space<vmem>> -> memref<8x512xf32, #tpu.memory_space<vmem>>
      %dma_start3A_100 = arith.constant 0 : i32
      %dma_start3A_101 = tpu.memref_slice %arg3[%dma_start3A_100, %multiple_of3A] : memref<64x1000000xf32, #tpu.memory_space<hbm>> -> memref<8x512xf32, #tpu.memory_space<hbm>>
      tpu.enqueue_dma source(%dma_start3A_101 : memref<8x512xf32, #tpu.memory_space<hbm>>) target(%dma_start3A_99 : memref<8x512xf32, #tpu.memory_space<vmem>>) target_semaphore(%dma_start3A_95 : memref<!tpu.dma_semaphore, #tpu.memory_space<semaphore_mem>>)
      %dma_start3A_102 = arith.constant 0 : i32
      %dma_start3A_103 = arith.constant 0 : i32
      %dma_start3A_104 = arith.constant 8 : i32
      %dma_start3A_105 = arith.constant 0 : i32
      %dma_start3A_106 = tpu.memref_slice %arg6[%dma_start3A_102, %dma_start3A_104, %dma_start3A_105] : memref<3x64x512xf32, #tpu.memory_space<vmem>> -> memref<1x8x512xf32, #tpu.memory_space<vmem>>
      %dma_start3A_107 = tpu.memref_squeeze %dma_start3A_106 : memref<1x8x512xf32, #tpu.memory_space<vmem>> -> memref<8x512xf32, #tpu.memory_space<vmem>>
      %dma_start3A_108 = arith.constant 8 : i32
      %dma_start3A_109 = tpu.memref_slice %arg3[%dma_start3A_108, %multiple_of3A] : memref<64x1000000xf32, #tpu.memory_space<hbm>> -> memref<8x512xf32, #tpu.memory_space<hbm>>
      %dma_start3A_110 = tpu.memref_slice %arg11[%dma_start3A_103] : memref<3x!tpu.dma_semaphore, #tpu.memory_space<semaphore_mem>> -> memref<1x!tpu.dma_semaphore, #tpu.memory_space<semaphore_mem>>
      %dma_start3A_111 = tpu.memref_squeeze %dma_start3A_110 : memref<1x!tpu.dma_semaphore, #tpu.memory_space<semaphore_mem>> -> memref<!tpu.dma_semaphore, #tpu.memory_space<semaphore_mem>>
      %dma_start3A_112 = arith.constant 8 : i32
      %dma_start3A_113 = arith.constant 0 : i32
      %dma_start3A_114 = tpu.memref_slice %arg6[%dma_start3A_102, %dma_start3A_112, %dma_start3A_113] : memref<3x64x512xf32, #tpu.memory_space<vmem>> -> memref<1x8x512xf32, #tpu.memory_space<vmem>>
      %dma_start3A_115 = tpu.memref_squeeze %dma_start3A_114 : memref<1x8x512xf32, #tpu.memory_space<vmem>> -> memref<8x512xf32, #tpu.memory_space<vmem>>
      %dma_start3A_116 = arith.constant 8 : i32
      %dma_start3A_117 = tpu.memref_slice %arg3[%dma_start3A_116, %multiple_of3A] : memref<64x1000000xf32, #tpu.memory_space<hbm>> -> memref<8x512xf32, #tpu.memory_space<hbm>>
      tpu.enqueue_dma source(%dma_start3A_117 : memref<8x512xf32, #tpu.memory_space<hbm>>) target(%dma_start3A_115 : memref<8x512xf32, #tpu.memory_space<vmem>>) target_semaphore(%dma_start3A_111 : memref<!tpu.dma_semaphore, #tpu.memory_space<semaphore_mem>>)
      %dma_start3A_118 = arith.constant 0 : i32
      %dma_start3A_119 = arith.constant 0 : i32
      %dma_start3A_120 = arith.constant 16 : i32
      %dma_start3A_121 = arith.constant 0 : i32
      %dma_start3A_122 = tpu.memref_slice %arg6[%dma_start3A_118, %dma_start3A_120, %dma_start3A_121] : memref<3x64x512xf32, #tpu.memory_space<vmem>> -> memref<1x8x512xf32, #tpu.memory_space<vmem>>
      %dma_start3A_123 = tpu.memref_squeeze %dma_start3A_122 : memref<1x8x512xf32, #tpu.memory_space<vmem>> -> memref<8x512xf32, #tpu.memory_space<vmem>>
      %dma_start3A_124 = arith.constant 16 : i32
      %dma_start3A_125 = tpu.memref_slice %arg3[%dma_start3A_124, %multiple_of3A] : memref<64x1000000xf32, #tpu.memory_space<hbm>> -> memref<8x512xf32, #tpu.memory_space<hbm>>
      %dma_start3A_126 = tpu.memref_slice %arg11[%dma_start3A_119] : memref<3x!tpu.dma_semaphore, #tpu.memory_space<semaphore_mem>> -> memref<1x!tpu.dma_semaphore, #tpu.memory_space<semaphore_mem>>
      %dma_start3A_127 = tpu.memref_squeeze %dma_start3A_126 : memref<1x!tpu.dma_semaphore, #tpu.memory_space<semaphore_mem>> -> memref<!tpu.dma_semaphore, #tpu.memory_space<semaphore_mem>>
      %dma_start3A_128 = arith.constant 16 : i32
      %dma_start3A_129 = arith.constant 0 : i32
      %dma_start3A_130 = tpu.memref_slice %arg6[%dma_start3A_118, %dma_start3A_128, %dma_start3A_129] : memref<3x64x512xf32, #tpu.memory_space<vmem>> -> memref<1x8x512xf32, #tpu.memory_space<vmem>>
      %dma_start3A_131 = tpu.memref_squeeze %dma_start3A_130 : memref<1x8x512xf32, #tpu.memory_space<vmem>> -> memref<8x512xf32, #tpu.memory_space<vmem>>
      %dma_start3A_132 = arith.constant 16 : i32
      %dma_start3A_133 = tpu.memref_slice %arg3[%dma_start3A_132, %multiple_of3A] : memref<64x1000000xf32, #tpu.memory_space<hbm>> -> memref<8x512xf32, #tpu.memory_space<hbm>>
      tpu.enqueue_dma source(%dma_start3A_133 : memref<8x512xf32, #tpu.memory_space<hbm>>) target(%dma_start3A_131 : memref<8x512xf32, #tpu.memory_space<vmem>>) target_semaphore(%dma_start3A_127 : memref<!tpu.dma_semaphore, #tpu.memory_space<semaphore_mem>>)
      %dma_start3A_134 = arith.constant 0 : i32
      %dma_start3A_135 = arith.constant 0 : i32
      %dma_start3A_136 = arith.constant 24 : i32
      %dma_start3A_137 = arith.constant 0 : i32
      %dma_start3A_138 = tpu.memref_slice %arg6[%dma_start3A_134, %dma_start3A_136, %dma_start3A_137] : memref<3x64x512xf32, #tpu.memory_space<vmem>> -> memref<1x8x512xf32, #tpu.memory_space<vmem>>
      %dma_start3A_139 = tpu.memref_squeeze %dma_start3A_138 : memref<1x8x512xf32, #tpu.memory_space<vmem>> -> memref<8x512xf32, #tpu.memory_space<vmem>>
      %dma_start3A_140 = arith.constant 24 : i32
      %dma_start3A_141 = tpu.memref_slice %arg3[%dma_start3A_140, %multiple_of3A] : memref<64x1000000xf32, #tpu.memory_space<hbm>> -> memref<8x512xf32, #tpu.memory_space<hbm>>
      %dma_start3A_142 = tpu.memref_slice %arg11[%dma_start3A_135] : memref<3x!tpu.dma_semaphore, #tpu.memory_space<semaphore_mem>> -> memref<1x!tpu.dma_semaphore, #tpu.memory_space<semaphore_mem>>
      %dma_start3A_143 = tpu.memref_squeeze %dma_start3A_142 : memref<1x!tpu.dma_semaphore, #tpu.memory_space<semaphore_mem>> -> memref<!tpu.dma_semaphore, #tpu.memory_space<semaphore_mem>>
      %dma_start3A_144 = arith.constant 24 : i32
      %dma_start3A_145 = arith.constant 0 : i32
      %dma_start3A_146 = tpu.memref_slice %arg6[%dma_start3A_134, %dma_start3A_144, %dma_start3A_145] : memref<3x64x512xf32, #tpu.memory_space<vmem>> -> memref<1x8x512xf32, #tpu.memory_space<vmem>>
      %dma_start3A_147 = tpu.memref_squeeze %dma_start3A_146 : memref<1x8x512xf32, #tpu.memory_space<vmem>> -> memref<8x512xf32, #tpu.memory_space<vmem>>
      %dma_start3A_148 = arith.constant 24 : i32
      %dma_start3A_149 = tpu.memref_slice %arg3[%dma_start3A_148, %multiple_of3A] : memref<64x1000000xf32, #tpu.memory_space<hbm>> -> memref<8x512xf32, #tpu.memory_space<hbm>>
      tpu.enqueue_dma source(%dma_start3A_149 : memref<8x512xf32, #tpu.memory_space<hbm>>) target(%dma_start3A_147 : memref<8x512xf32, #tpu.memory_space<vmem>>) target_semaphore(%dma_start3A_143 : memref<!tpu.dma_semaphore, #tpu.memory_space<semaphore_mem>>)
      %dma_start3A_150 = arith.constant 0 : i32
      %dma_start3A_151 = arith.constant 0 : i32
      %dma_start3A_152 = arith.constant 32 : i32
      %dma_start3A_153 = arith.constant 0 : i32
      %dma_start3A_154 = tpu.memref_slice %arg6[%dma_start3A_150, %dma_start3A_152, %dma_start3A_153] : memref<3x64x512xf32, #tpu.memory_space<vmem>> -> memref<1x8x512xf32, #tpu.memory_space<vmem>>
      %dma_start3A_155 = tpu.memref_squeeze %dma_start3A_154 : memref<1x8x512xf32, #tpu.memory_space<vmem>> -> memref<8x512xf32, #tpu.memory_space<vmem>>
      %dma_start3A_156 = arith.constant 32 : i32
      %dma_start3A_157 = tpu.memref_slice %arg3[%dma_start3A_156, %multiple_of3A] : memref<64x1000000xf32, #tpu.memory_space<hbm>> -> memref<8x512xf32, #tpu.memory_space<hbm>>
      %dma_start3A_158 = tpu.memref_slice %arg11[%dma_start3A_151] : memref<3x!tpu.dma_semaphore, #tpu.memory_space<semaphore_mem>> -> memref<1x!tpu.dma_semaphore, #tpu.memory_space<semaphore_mem>>
      %dma_start3A_159 = tpu.memref_squeeze %dma_start3A_158 : memref<1x!tpu.dma_semaphore, #tpu.memory_space<semaphore_mem>> -> memref<!tpu.dma_semaphore, #tpu.memory_space<semaphore_mem>>
      %dma_start3A_160 = arith.constant 32 : i32
      %dma_start3A_161 = arith.constant 0 : i32
      %dma_start3A_162 = tpu.memref_slice %arg6[%dma_start3A_150, %dma_start3A_160, %dma_start3A_161] : memref<3x64x512xf32, #tpu.memory_space<vmem>> -> memref<1x8x512xf32, #tpu.memory_space<vmem>>
      %dma_start3A_163 = tpu.memref_squeeze %dma_start3A_162 : memref<1x8x512xf32, #tpu.memory_space<vmem>> -> memref<8x512xf32, #tpu.memory_space<vmem>>
      %dma_start3A_164 = arith.constant 32 : i32
      %dma_start3A_165 = tpu.memref_slice %arg3[%dma_start3A_164, %multiple_of3A] : memref<64x1000000xf32, #tpu.memory_space<hbm>> -> memref<8x512xf32, #tpu.memory_space<hbm>>
      tpu.enqueue_dma source(%dma_start3A_165 : memref<8x512xf32, #tpu.memory_space<hbm>>) target(%dma_start3A_163 : memref<8x512xf32, #tpu.memory_space<vmem>>) target_semaphore(%dma_start3A_159 : memref<!tpu.dma_semaphore, #tpu.memory_space<semaphore_mem>>)
      %dma_start3A_166 = arith.constant 0 : i32
      %dma_start3A_167 = arith.constant 0 : i32
      %dma_start3A_168 = arith.constant 40 : i32
      %dma_start3A_169 = arith.constant 0 : i32
      %dma_start3A_170 = tpu.memref_slice %arg6[%dma_start3A_166, %dma_start3A_168, %dma_start3A_169] : memref<3x64x512xf32, #tpu.memory_space<vmem>> -> memref<1x8x512xf32, #tpu.memory_space<vmem>>
      %dma_start3A_171 = tpu.memref_squeeze %dma_start3A_170 : memref<1x8x512xf32, #tpu.memory_space<vmem>> -> memref<8x512xf32, #tpu.memory_space<vmem>>
      %dma_start3A_172 = arith.constant 40 : i32
      %dma_start3A_173 = tpu.memref_slice %arg3[%dma_start3A_172, %multiple_of3A] : memref<64x1000000xf32, #tpu.memory_space<hbm>> -> memref<8x512xf32, #tpu.memory_space<hbm>>
      %dma_start3A_174 = tpu.memref_slice %arg11[%dma_start3A_167] : memref<3x!tpu.dma_semaphore, #tpu.memory_space<semaphore_mem>> -> memref<1x!tpu.dma_semaphore, #tpu.memory_space<semaphore_mem>>
      %dma_start3A_175 = tpu.memref_squeeze %dma_start3A_174 : memref<1x!tpu.dma_semaphore, #tpu.memory_space<semaphore_mem>> -> memref<!tpu.dma_semaphore, #tpu.memory_space<semaphore_mem>>
      %dma_start3A_176 = arith.constant 40 : i32
      %dma_start3A_177 = arith.constant 0 : i32
      %dma_start3A_178 = tpu.memref_slice %arg6[%dma_start3A_166, %dma_start3A_176, %dma_start3A_177] : memref<3x64x512xf32, #tpu.memory_space<vmem>> -> memref<1x8x512xf32, #tpu.memory_space<vmem>>
      %dma_start3A_179 = tpu.memref_squeeze %dma_start3A_178 : memref<1x8x512xf32, #tpu.memory_space<vmem>> -> memref<8x512xf32, #tpu.memory_space<vmem>>
      %dma_start3A_180 = arith.constant 40 : i32
      %dma_start3A_181 = tpu.memref_slice %arg3[%dma_start3A_180, %multiple_of3A] : memref<64x1000000xf32, #tpu.memory_space<hbm>> -> memref<8x512xf32, #tpu.memory_space<hbm>>
      tpu.enqueue_dma source(%dma_start3A_181 : memref<8x512xf32, #tpu.memory_space<hbm>>) target(%dma_start3A_179 : memref<8x512xf32, #tpu.memory_space<vmem>>) target_semaphore(%dma_start3A_175 : memref<!tpu.dma_semaphore, #tpu.memory_space<semaphore_mem>>)
      %dma_start3A_182 = arith.constant 0 : i32
      %dma_start3A_183 = arith.constant 0 : i32
      %dma_start3A_184 = arith.constant 48 : i32
      %dma_start3A_185 = arith.constant 0 : i32
      %dma_start3A_186 = tpu.memref_slice %arg6[%dma_start3A_182, %dma_start3A_184, %dma_start3A_185] : memref<3x64x512xf32, #tpu.memory_space<vmem>> -> memref<1x8x512xf32, #tpu.memory_space<vmem>>
      %dma_start3A_187 = tpu.memref_squeeze %dma_start3A_186 : memref<1x8x512xf32, #tpu.memory_space<vmem>> -> memref<8x512xf32, #tpu.memory_space<vmem>>
      %dma_start3A_188 = arith.constant 48 : i32
      %dma_start3A_189 = tpu.memref_slice %arg3[%dma_start3A_188, %multiple_of3A] : memref<64x1000000xf32, #tpu.memory_space<hbm>> -> memref<8x512xf32, #tpu.memory_space<hbm>>
      %dma_start3A_190 = tpu.memref_slice %arg11[%dma_start3A_183] : memref<3x!tpu.dma_semaphore, #tpu.memory_space<semaphore_mem>> -> memref<1x!tpu.dma_semaphore, #tpu.memory_space<semaphore_mem>>
      %dma_start3A_191 = tpu.memref_squeeze %dma_start3A_190 : memref<1x!tpu.dma_semaphore, #tpu.memory_space<semaphore_mem>> -> memref<!tpu.dma_semaphore, #tpu.memory_space<semaphore_mem>>
      %dma_start3A_192 = arith.constant 48 : i32
      %dma_start3A_193 = arith.constant 0 : i32
      %dma_start3A_194 = tpu.memref_slice %arg6[%dma_start3A_182, %dma_start3A_192, %dma_start3A_193] : memref<3x64x512xf32, #tpu.memory_space<vmem>> -> memref<1x8x512xf32, #tpu.memory_space<vmem>>
      %dma_start3A_195 = tpu.memref_squeeze %dma_start3A_194 : memref<1x8x512xf32, #tpu.memory_space<vmem>> -> memref<8x512xf32, #tpu.memory_space<vmem>>
      %dma_start3A_196 = arith.constant 48 : i32
      %dma_start3A_197 = tpu.memref_slice %arg3[%dma_start3A_196, %multiple_of3A] : memref<64x1000000xf32, #tpu.memory_space<hbm>> -> memref<8x512xf32, #tpu.memory_space<hbm>>
      tpu.enqueue_dma source(%dma_start3A_197 : memref<8x512xf32, #tpu.memory_space<hbm>>) target(%dma_start3A_195 : memref<8x512xf32, #tpu.memory_space<vmem>>) target_semaphore(%dma_start3A_191 : memref<!tpu.dma_semaphore, #tpu.memory_space<semaphore_mem>>)
      %dma_start3A_198 = arith.constant 0 : i32
      %dma_start3A_199 = arith.constant 0 : i32
      %dma_start3A_200 = arith.constant 56 : i32
      %dma_start3A_201 = arith.constant 0 : i32
      %dma_start3A_202 = tpu.memref_slice %arg6[%dma_start3A_198, %dma_start3A_200, %dma_start3A_201] : memref<3x64x512xf32, #tpu.memory_space<vmem>> -> memref<1x8x512xf32, #tpu.memory_space<vmem>>
      %dma_start3A_203 = tpu.memref_squeeze %dma_start3A_202 : memref<1x8x512xf32, #tpu.memory_space<vmem>> -> memref<8x512xf32, #tpu.memory_space<vmem>>
      %dma_start3A_204 = arith.constant 56 : i32
      %dma_start3A_205 = tpu.memref_slice %arg3[%dma_start3A_204, %multiple_of3A] : memref<64x1000000xf32, #tpu.memory_space<hbm>> -> memref<8x512xf32, #tpu.memory_space<hbm>>
      %dma_start3A_206 = tpu.memref_slice %arg11[%dma_start3A_199] : memref<3x!tpu.dma_semaphore, #tpu.memory_space<semaphore_mem>> -> memref<1x!tpu.dma_semaphore, #tpu.memory_space<semaphore_mem>>
      %dma_start3A_207 = tpu.memref_squeeze %dma_start3A_206 : memref<1x!tpu.dma_semaphore, #tpu.memory_space<semaphore_mem>> -> memref<!tpu.dma_semaphore, #tpu.memory_space<semaphore_mem>>
      %dma_start3A_208 = arith.constant 56 : i32
      %dma_start3A_209 = arith.constant 0 : i32
      %dma_start3A_210 = tpu.memref_slice %arg6[%dma_start3A_198, %dma_start3A_208, %dma_start3A_209] : memref<3x64x512xf32, #tpu.memory_space<vmem>> -> memref<1x8x512xf32, #tpu.memory_space<vmem>>
      %dma_start3A_211 = tpu.memref_squeeze %dma_start3A_210 : memref<1x8x512xf32, #tpu.memory_space<vmem>> -> memref<8x512xf32, #tpu.memory_space<vmem>>
      %dma_start3A_212 = arith.constant 56 : i32
      %dma_start3A_213 = tpu.memref_slice %arg3[%dma_start3A_212, %multiple_of3A] : memref<64x1000000xf32, #tpu.memory_space<hbm>> -> memref<8x512xf32, #tpu.memory_space<hbm>>
      tpu.enqueue_dma source(%dma_start3A_213 : memref<8x512xf32, #tpu.memory_space<hbm>>) target(%dma_start3A_211 : memref<8x512xf32, #tpu.memory_space<vmem>>) target_semaphore(%dma_start3A_207 : memref<!tpu.dma_semaphore, #tpu.memory_space<semaphore_mem>>)
    } else {
    }
    %add3A_10 = arith.constant 512 : i32
    %add3A_11 = arith.addi %mul3A_2, %add3A_10 : i32
    %lt3A_12 = arith.constant 1000000 : i32
    %lt3A_13 = arith.cmpi slt, %add3A_11, %lt3A_12 : i32
    %convert_element_type3A_14 = arith.extui %lt3A_13 : i1 to i32
    %cond3A_15 = arith.constant 0 : i32
    %cond3A_16 = arith.cmpi ne, %convert_element_type3A_14, %cond3A_15 : i32
    scf.if %cond3A_16 {
      %min3A_85 = arith.constant 999552 : i32
      %min3A_86 = arith.minsi %add3A_11, %min3A_85 : i32
      %multiple_of3A = tpu.assume_multiple %min3A_86, 128 : i32
      %dma_start3A = arith.constant 1 : i32
      %dma_start3A_87 = arith.constant 1 : i32
      %dma_start3A_88 = arith.constant 0 : i32
      %dma_start3A_89 = arith.constant 0 : i32
      %dma_start3A_90 = tpu.memref_slice %arg6[%dma_start3A, %dma_start3A_88, %dma_start3A_89] : memref<3x64x512xf32, #tpu.memory_space<vmem>> -> memref<1x8x512xf32, #tpu.memory_space<vmem>>
      %dma_start3A_91 = tpu.memref_squeeze %dma_start3A_90 : memref<1x8x512xf32, #tpu.memory_space<vmem>> -> memref<8x512xf32, #tpu.memory_space<vmem>>
      %dma_start3A_92 = arith.constant 0 : i32
      %dma_start3A_93 = tpu.memref_slice %arg3[%dma_start3A_92, %multiple_of3A] : memref<64x1000000xf32, #tpu.memory_space<hbm>> -> memref<8x512xf32, #tpu.memory_space<hbm>>
      %dma_start3A_94 = tpu.memref_slice %arg11[%dma_start3A_87] : memref<3x!tpu.dma_semaphore, #tpu.memory_space<semaphore_mem>> -> memref<1x!tpu.dma_semaphore, #tpu.memory_space<semaphore_mem>>
      %dma_start3A_95 = tpu.memref_squeeze %dma_start3A_94 : memref<1x!tpu.dma_semaphore, #tpu.memory_space<semaphore_mem>> -> memref<!tpu.dma_semaphore, #tpu.memory_space<semaphore_mem>>
      %dma_start3A_96 = arith.constant 0 : i32
      %dma_start3A_97 = arith.constant 0 : i32
      %dma_start3A_98 = tpu.memref_slice %arg6[%dma_start3A, %dma_start3A_96, %dma_start3A_97] : memref<3x64x512xf32, #tpu.memory_space<vmem>> -> memref<1x8x512xf32, #tpu.memory_space<vmem>>
      %dma_start3A_99 = tpu.memref_squeeze %dma_start3A_98 : memref<1x8x512xf32, #tpu.memory_space<vmem>> -> memref<8x512xf32, #tpu.memory_space<vmem>>
      %dma_start3A_100 = arith.constant 0 : i32
      %dma_start3A_101 = tpu.memref_slice %arg3[%dma_start3A_100, %multiple_of3A] : memref<64x1000000xf32, #tpu.memory_space<hbm>> -> memref<8x512xf32, #tpu.memory_space<hbm>>
      tpu.enqueue_dma source(%dma_start3A_101 : memref<8x512xf32, #tpu.memory_space<hbm>>) target(%dma_start3A_99 : memref<8x512xf32, #tpu.memory_space<vmem>>) target_semaphore(%dma_start3A_95 : memref<!tpu.dma_semaphore, #tpu.memory_space<semaphore_mem>>)
      %dma_start3A_102 = arith.constant 1 : i32
      %dma_start3A_103 = arith.constant 1 : i32
      %dma_start3A_104 = arith.constant 8 : i32
      %dma_start3A_105 = arith.constant 0 : i32
      %dma_start3A_106 = tpu.memref_slice %arg6[%dma_start3A_102, %dma_start3A_104, %dma_start3A_105] : memref<3x64x512xf32, #tpu.memory_space<vmem>> -> memref<1x8x512xf32, #tpu.memory_space<vmem>>
      %dma_start3A_107 = tpu.memref_squeeze %dma_start3A_106 : memref<1x8x512xf32, #tpu.memory_space<vmem>> -> memref<8x512xf32, #tpu.memory_space<vmem>>
      %dma_start3A_108 = arith.constant 8 : i32
      %dma_start3A_109 = tpu.memref_slice %arg3[%dma_start3A_108, %multiple_of3A] : memref<64x1000000xf32, #tpu.memory_space<hbm>> -> memref<8x512xf32, #tpu.memory_space<hbm>>
      %dma_start3A_110 = tpu.memref_slice %arg11[%dma_start3A_103] : memref<3x!tpu.dma_semaphore, #tpu.memory_space<semaphore_mem>> -> memref<1x!tpu.dma_semaphore, #tpu.memory_space<semaphore_mem>>
      %dma_start3A_111 = tpu.memref_squeeze %dma_start3A_110 : memref<1x!tpu.dma_semaphore, #tpu.memory_space<semaphore_mem>> -> memref<!tpu.dma_semaphore, #tpu.memory_space<semaphore_mem>>
      %dma_start3A_112 = arith.constant 8 : i32
      %dma_start3A_113 = arith.constant 0 : i32
      %dma_start3A_114 = tpu.memref_slice %arg6[%dma_start3A_102, %dma_start3A_112, %dma_start3A_113] : memref<3x64x512xf32, #tpu.memory_space<vmem>> -> memref<1x8x512xf32, #tpu.memory_space<vmem>>
      %dma_start3A_115 = tpu.memref_squeeze %dma_start3A_114 : memref<1x8x512xf32, #tpu.memory_space<vmem>> -> memref<8x512xf32, #tpu.memory_space<vmem>>
      %dma_start3A_116 = arith.constant 8 : i32
      %dma_start3A_117 = tpu.memref_slice %arg3[%dma_start3A_116, %multiple_of3A] : memref<64x1000000xf32, #tpu.memory_space<hbm>> -> memref<8x512xf32, #tpu.memory_space<hbm>>
      tpu.enqueue_dma source(%dma_start3A_117 : memref<8x512xf32, #tpu.memory_space<hbm>>) target(%dma_start3A_115 : memref<8x512xf32, #tpu.memory_space<vmem>>) target_semaphore(%dma_start3A_111 : memref<!tpu.dma_semaphore, #tpu.memory_space<semaphore_mem>>)
      %dma_start3A_118 = arith.constant 1 : i32
      %dma_start3A_119 = arith.constant 1 : i32
      %dma_start3A_120 = arith.constant 16 : i32
      %dma_start3A_121 = arith.constant 0 : i32
      %dma_start3A_122 = tpu.memref_slice %arg6[%dma_start3A_118, %dma_start3A_120, %dma_start3A_121] : memref<3x64x512xf32, #tpu.memory_space<vmem>> -> memref<1x8x512xf32, #tpu.memory_space<vmem>>
      %dma_start3A_123 = tpu.memref_squeeze %dma_start3A_122 : memref<1x8x512xf32, #tpu.memory_space<vmem>> -> memref<8x512xf32, #tpu.memory_space<vmem>>
      %dma_start3A_124 = arith.constant 16 : i32
      %dma_start3A_125 = tpu.memref_slice %arg3[%dma_start3A_124, %multiple_of3A] : memref<64x1000000xf32, #tpu.memory_space<hbm>> -> memref<8x512xf32, #tpu.memory_space<hbm>>
      %dma_start3A_126 = tpu.memref_slice %arg11[%dma_start3A_119] : memref<3x!tpu.dma_semaphore, #tpu.memory_space<semaphore_mem>> -> memref<1x!tpu.dma_semaphore, #tpu.memory_space<semaphore_mem>>
      %dma_start3A_127 = tpu.memref_squeeze %dma_start3A_126 : memref<1x!tpu.dma_semaphore, #tpu.memory_space<semaphore_mem>> -> memref<!tpu.dma_semaphore, #tpu.memory_space<semaphore_mem>>
      %dma_start3A_128 = arith.constant 16 : i32
      %dma_start3A_129 = arith.constant 0 : i32
      %dma_start3A_130 = tpu.memref_slice %arg6[%dma_start3A_118, %dma_start3A_128, %dma_start3A_129] : memref<3x64x512xf32, #tpu.memory_space<vmem>> -> memref<1x8x512xf32, #tpu.memory_space<vmem>>
      %dma_start3A_131 = tpu.memref_squeeze %dma_start3A_130 : memref<1x8x512xf32, #tpu.memory_space<vmem>> -> memref<8x512xf32, #tpu.memory_space<vmem>>
      %dma_start3A_132 = arith.constant 16 : i32
      %dma_start3A_133 = tpu.memref_slice %arg3[%dma_start3A_132, %multiple_of3A] : memref<64x1000000xf32, #tpu.memory_space<hbm>> -> memref<8x512xf32, #tpu.memory_space<hbm>>
      tpu.enqueue_dma source(%dma_start3A_133 : memref<8x512xf32, #tpu.memory_space<hbm>>) target(%dma_start3A_131 : memref<8x512xf32, #tpu.memory_space<vmem>>) target_semaphore(%dma_start3A_127 : memref<!tpu.dma_semaphore, #tpu.memory_space<semaphore_mem>>)
      %dma_start3A_134 = arith.constant 1 : i32
      %dma_start3A_135 = arith.constant 1 : i32
      %dma_start3A_136 = arith.constant 24 : i32
      %dma_start3A_137 = arith.constant 0 : i32
      %dma_start3A_138 = tpu.memref_slice %arg6[%dma_start3A_134, %dma_start3A_136, %dma_start3A_137] : memref<3x64x512xf32, #tpu.memory_space<vmem>> -> memref<1x8x512xf32, #tpu.memory_space<vmem>>
      %dma_start3A_139 = tpu.memref_squeeze %dma_start3A_138 : memref<1x8x512xf32, #tpu.memory_space<vmem>> -> memref<8x512xf32, #tpu.memory_space<vmem>>
      %dma_start3A_140 = arith.constant 24 : i32
      %dma_start3A_141 = tpu.memref_slice %arg3[%dma_start3A_140, %multiple_of3A] : memref<64x1000000xf32, #tpu.memory_space<hbm>> -> memref<8x512xf32, #tpu.memory_space<hbm>>
      %dma_start3A_142 = tpu.memref_slice %arg11[%dma_start3A_135] : memref<3x!tpu.dma_semaphore, #tpu.memory_space<semaphore_mem>> -> memref<1x!tpu.dma_semaphore, #tpu.memory_space<semaphore_mem>>
      %dma_start3A_143 = tpu.memref_squeeze %dma_start3A_142 : memref<1x!tpu.dma_semaphore, #tpu.memory_space<semaphore_mem>> -> memref<!tpu.dma_semaphore, #tpu.memory_space<semaphore_mem>>
      %dma_start3A_144 = arith.constant 24 : i32
      %dma_start3A_145 = arith.constant 0 : i32
      %dma_start3A_146 = tpu.memref_slice %arg6[%dma_start3A_134, %dma_start3A_144, %dma_start3A_145] : memref<3x64x512xf32, #tpu.memory_space<vmem>> -> memref<1x8x512xf32, #tpu.memory_space<vmem>>
      %dma_start3A_147 = tpu.memref_squeeze %dma_start3A_146 : memref<1x8x512xf32, #tpu.memory_space<vmem>> -> memref<8x512xf32, #tpu.memory_space<vmem>>
      %dma_start3A_148 = arith.constant 24 : i32
      %dma_start3A_149 = tpu.memref_slice %arg3[%dma_start3A_148, %multiple_of3A] : memref<64x1000000xf32, #tpu.memory_space<hbm>> -> memref<8x512xf32, #tpu.memory_space<hbm>>
      tpu.enqueue_dma source(%dma_start3A_149 : memref<8x512xf32, #tpu.memory_space<hbm>>) target(%dma_start3A_147 : memref<8x512xf32, #tpu.memory_space<vmem>>) target_semaphore(%dma_start3A_143 : memref<!tpu.dma_semaphore, #tpu.memory_space<semaphore_mem>>)
      %dma_start3A_150 = arith.constant 1 : i32
      %dma_start3A_151 = arith.constant 1 : i32
      %dma_start3A_152 = arith.constant 32 : i32
      %dma_start3A_153 = arith.constant 0 : i32
      %dma_start3A_154 = tpu.memref_slice %arg6[%dma_start3A_150, %dma_start3A_152, %dma_start3A_153] : memref<3x64x512xf32, #tpu.memory_space<vmem>> -> memref<1x8x512xf32, #tpu.memory_space<vmem>>
      %dma_start3A_155 = tpu.memref_squeeze %dma_start3A_154 : memref<1x8x512xf32, #tpu.memory_space<vmem>> -> memref<8x512xf32, #tpu.memory_space<vmem>>
      %dma_start3A_156 = arith.constant 32 : i32
      %dma_start3A_157 = tpu.memref_slice %arg3[%dma_start3A_156, %multiple_of3A] : memref<64x1000000xf32, #tpu.memory_space<hbm>> -> memref<8x512xf32, #tpu.memory_space<hbm>>
      %dma_start3A_158 = tpu.memref_slice %arg11[%dma_start3A_151] : memref<3x!tpu.dma_semaphore, #tpu.memory_space<semaphore_mem>> -> memref<1x!tpu.dma_semaphore, #tpu.memory_space<semaphore_mem>>
      %dma_start3A_159 = tpu.memref_squeeze %dma_start3A_158 : memref<1x!tpu.dma_semaphore, #tpu.memory_space<semaphore_mem>> -> memref<!tpu.dma_semaphore, #tpu.memory_space<semaphore_mem>>
      %dma_start3A_160 = arith.constant 32 : i32
      %dma_start3A_161 = arith.constant 0 : i32
      %dma_start3A_162 = tpu.memref_slice %arg6[%dma_start3A_150, %dma_start3A_160, %dma_start3A_161] : memref<3x64x512xf32, #tpu.memory_space<vmem>> -> memref<1x8x512xf32, #tpu.memory_space<vmem>>
      %dma_start3A_163 = tpu.memref_squeeze %dma_start3A_162 : memref<1x8x512xf32, #tpu.memory_space<vmem>> -> memref<8x512xf32, #tpu.memory_space<vmem>>
      %dma_start3A_164 = arith.constant 32 : i32
      %dma_start3A_165 = tpu.memref_slice %arg3[%dma_start3A_164, %multiple_of3A] : memref<64x1000000xf32, #tpu.memory_space<hbm>> -> memref<8x512xf32, #tpu.memory_space<hbm>>
      tpu.enqueue_dma source(%dma_start3A_165 : memref<8x512xf32, #tpu.memory_space<hbm>>) target(%dma_start3A_163 : memref<8x512xf32, #tpu.memory_space<vmem>>) target_semaphore(%dma_start3A_159 : memref<!tpu.dma_semaphore, #tpu.memory_space<semaphore_mem>>)
      %dma_start3A_166 = arith.constant 1 : i32
      %dma_start3A_167 = arith.constant 1 : i32
      %dma_start3A_168 = arith.constant 40 : i32
      %dma_start3A_169 = arith.constant 0 : i32
      %dma_start3A_170 = tpu.memref_slice %arg6[%dma_start3A_166, %dma_start3A_168, %dma_start3A_169] : memref<3x64x512xf32, #tpu.memory_space<vmem>> -> memref<1x8x512xf32, #tpu.memory_space<vmem>>
      %dma_start3A_171 = tpu.memref_squeeze %dma_start3A_170 : memref<1x8x512xf32, #tpu.memory_space<vmem>> -> memref<8x512xf32, #tpu.memory_space<vmem>>
      %dma_start3A_172 = arith.constant 40 : i32
      %dma_start3A_173 = tpu.memref_slice %arg3[%dma_start3A_172, %multiple_of3A] : memref<64x1000000xf32, #tpu.memory_space<hbm>> -> memref<8x512xf32, #tpu.memory_space<hbm>>
      %dma_start3A_174 = tpu.memref_slice %arg11[%dma_start3A_167] : memref<3x!tpu.dma_semaphore, #tpu.memory_space<semaphore_mem>> -> memref<1x!tpu.dma_semaphore, #tpu.memory_space<semaphore_mem>>
      %dma_start3A_175 = tpu.memref_squeeze %dma_start3A_174 : memref<1x!tpu.dma_semaphore, #tpu.memory_space<semaphore_mem>> -> memref<!tpu.dma_semaphore, #tpu.memory_space<semaphore_mem>>
      %dma_start3A_176 = arith.constant 40 : i32
      %dma_start3A_177 = arith.constant 0 : i32
      %dma_start3A_178 = tpu.memref_slice %arg6[%dma_start3A_166, %dma_start3A_176, %dma_start3A_177] : memref<3x64x512xf32, #tpu.memory_space<vmem>> -> memref<1x8x512xf32, #tpu.memory_space<vmem>>
      %dma_start3A_179 = tpu.memref_squeeze %dma_start3A_178 : memref<1x8x512xf32, #tpu.memory_space<vmem>> -> memref<8x512xf32, #tpu.memory_space<vmem>>
      %dma_start3A_180 = arith.constant 40 : i32
      %dma_start3A_181 = tpu.memref_slice %arg3[%dma_start3A_180, %multiple_of3A] : memref<64x1000000xf32, #tpu.memory_space<hbm>> -> memref<8x512xf32, #tpu.memory_space<hbm>>
      tpu.enqueue_dma source(%dma_start3A_181 : memref<8x512xf32, #tpu.memory_space<hbm>>) target(%dma_start3A_179 : memref<8x512xf32, #tpu.memory_space<vmem>>) target_semaphore(%dma_start3A_175 : memref<!tpu.dma_semaphore, #tpu.memory_space<semaphore_mem>>)
      %dma_start3A_182 = arith.constant 1 : i32
      %dma_start3A_183 = arith.constant 1 : i32
      %dma_start3A_184 = arith.constant 48 : i32
      %dma_start3A_185 = arith.constant 0 : i32
      %dma_start3A_186 = tpu.memref_slice %arg6[%dma_start3A_182, %dma_start3A_184, %dma_start3A_185] : memref<3x64x512xf32, #tpu.memory_space<vmem>> -> memref<1x8x512xf32, #tpu.memory_space<vmem>>
      %dma_start3A_187 = tpu.memref_squeeze %dma_start3A_186 : memref<1x8x512xf32, #tpu.memory_space<vmem>> -> memref<8x512xf32, #tpu.memory_space<vmem>>
      %dma_start3A_188 = arith.constant 48 : i32
      %dma_start3A_189 = tpu.memref_slice %arg3[%dma_start3A_188, %multiple_of3A] : memref<64x1000000xf32, #tpu.memory_space<hbm>> -> memref<8x512xf32, #tpu.memory_space<hbm>>
      %dma_start3A_190 = tpu.memref_slice %arg11[%dma_start3A_183] : memref<3x!tpu.dma_semaphore, #tpu.memory_space<semaphore_mem>> -> memref<1x!tpu.dma_semaphore, #tpu.memory_space<semaphore_mem>>
      %dma_start3A_191 = tpu.memref_squeeze %dma_start3A_190 : memref<1x!tpu.dma_semaphore, #tpu.memory_space<semaphore_mem>> -> memref<!tpu.dma_semaphore, #tpu.memory_space<semaphore_mem>>
      %dma_start3A_192 = arith.constant 48 : i32
      %dma_start3A_193 = arith.constant 0 : i32
      %dma_start3A_194 = tpu.memref_slice %arg6[%dma_start3A_182, %dma_start3A_192, %dma_start3A_193] : memref<3x64x512xf32, #tpu.memory_space<vmem>> -> memref<1x8x512xf32, #tpu.memory_space<vmem>>
      %dma_start3A_195 = tpu.memref_squeeze %dma_start3A_194 : memref<1x8x512xf32, #tpu.memory_space<vmem>> -> memref<8x512xf32, #tpu.memory_space<vmem>>
      %dma_start3A_196 = arith.constant 48 : i32
      %dma_start3A_197 = tpu.memref_slice %arg3[%dma_start3A_196, %multiple_of3A] : memref<64x1000000xf32, #tpu.memory_space<hbm>> -> memref<8x512xf32, #tpu.memory_space<hbm>>
      tpu.enqueue_dma source(%dma_start3A_197 : memref<8x512xf32, #tpu.memory_space<hbm>>) target(%dma_start3A_195 : memref<8x512xf32, #tpu.memory_space<vmem>>) target_semaphore(%dma_start3A_191 : memref<!tpu.dma_semaphore, #tpu.memory_space<semaphore_mem>>)
      %dma_start3A_198 = arith.constant 1 : i32
      %dma_start3A_199 = arith.constant 1 : i32
      %dma_start3A_200 = arith.constant 56 : i32
      %dma_start3A_201 = arith.constant 0 : i32
      %dma_start3A_202 = tpu.memref_slice %arg6[%dma_start3A_198, %dma_start3A_200, %dma_start3A_201] : memref<3x64x512xf32, #tpu.memory_space<vmem>> -> memref<1x8x512xf32, #tpu.memory_space<vmem>>
      %dma_start3A_203 = tpu.memref_squeeze %dma_start3A_202 : memref<1x8x512xf32, #tpu.memory_space<vmem>> -> memref<8x512xf32, #tpu.memory_space<vmem>>
      %dma_start3A_204 = arith.constant 56 : i32
      %dma_start3A_205 = tpu.memref_slice %arg3[%dma_start3A_204, %multiple_of3A] : memref<64x1000000xf32, #tpu.memory_space<hbm>> -> memref<8x512xf32, #tpu.memory_space<hbm>>
      %dma_start3A_206 = tpu.memref_slice %arg11[%dma_start3A_199] : memref<3x!tpu.dma_semaphore, #tpu.memory_space<semaphore_mem>> -> memref<1x!tpu.dma_semaphore, #tpu.memory_space<semaphore_mem>>
      %dma_start3A_207 = tpu.memref_squeeze %dma_start3A_206 : memref<1x!tpu.dma_semaphore, #tpu.memory_space<semaphore_mem>> -> memref<!tpu.dma_semaphore, #tpu.memory_space<semaphore_mem>>
      %dma_start3A_208 = arith.constant 56 : i32
      %dma_start3A_209 = arith.constant 0 : i32
      %dma_start3A_210 = tpu.memref_slice %arg6[%dma_start3A_198, %dma_start3A_208, %dma_start3A_209] : memref<3x64x512xf32, #tpu.memory_space<vmem>> -> memref<1x8x512xf32, #tpu.memory_space<vmem>>
      %dma_start3A_211 = tpu.memref_squeeze %dma_start3A_210 : memref<1x8x512xf32, #tpu.memory_space<vmem>> -> memref<8x512xf32, #tpu.memory_space<vmem>>
      %dma_start3A_212 = arith.constant 56 : i32
      %dma_start3A_213 = tpu.memref_slice %arg3[%dma_start3A_212, %multiple_of3A] : memref<64x1000000xf32, #tpu.memory_space<hbm>> -> memref<8x512xf32, #tpu.memory_space<hbm>>
      tpu.enqueue_dma source(%dma_start3A_213 : memref<8x512xf32, #tpu.memory_space<hbm>>) target(%dma_start3A_211 : memref<8x512xf32, #tpu.memory_space<vmem>>) target_semaphore(%dma_start3A_207 : memref<!tpu.dma_semaphore, #tpu.memory_space<semaphore_mem>>)
    } else {
    }
    %add3A_17 = arith.constant 1024 : i32
    %add3A_18 = arith.addi %mul3A_2, %add3A_17 : i32
    %lt3A_19 = arith.constant 1000000 : i32
    %lt3A_20 = arith.cmpi slt, %add3A_18, %lt3A_19 : i32
    %convert_element_type3A_21 = arith.extui %lt3A_20 : i1 to i32
    %cond3A_22 = arith.constant 0 : i32
    %cond3A_23 = arith.cmpi ne, %convert_element_type3A_21, %cond3A_22 : i32
    scf.if %cond3A_23 {
      %min3A_85 = arith.constant 999552 : i32
      %min3A_86 = arith.minsi %add3A_18, %min3A_85 : i32
      %multiple_of3A = tpu.assume_multiple %min3A_86, 128 : i32
      %dma_start3A = arith.constant 2 : i32
      %dma_start3A_87 = arith.constant 2 : i32
      %dma_start3A_88 = arith.constant 0 : i32
      %dma_start3A_89 = arith.constant 0 : i32
      %dma_start3A_90 = tpu.memref_slice %arg6[%dma_start3A, %dma_start3A_88, %dma_start3A_89] : memref<3x64x512xf32, #tpu.memory_space<vmem>> -> memref<1x8x512xf32, #tpu.memory_space<vmem>>
      %dma_start3A_91 = tpu.memref_squeeze %dma_start3A_90 : memref<1x8x512xf32, #tpu.memory_space<vmem>> -> memref<8x512xf32, #tpu.memory_space<vmem>>
      %dma_start3A_92 = arith.constant 0 : i32
      %dma_start3A_93 = tpu.memref_slice %arg3[%dma_start3A_92, %multiple_of3A] : memref<64x1000000xf32, #tpu.memory_space<hbm>> -> memref<8x512xf32, #tpu.memory_space<hbm>>
      %dma_start3A_94 = tpu.memref_slice %arg11[%dma_start3A_87] : memref<3x!tpu.dma_semaphore, #tpu.memory_space<semaphore_mem>> -> memref<1x!tpu.dma_semaphore, #tpu.memory_space<semaphore_mem>>
      %dma_start3A_95 = tpu.memref_squeeze %dma_start3A_94 : memref<1x!tpu.dma_semaphore, #tpu.memory_space<semaphore_mem>> -> memref<!tpu.dma_semaphore, #tpu.memory_space<semaphore_mem>>
      %dma_start3A_96 = arith.constant 0 : i32
      %dma_start3A_97 = arith.constant 0 : i32
      %dma_start3A_98 = tpu.memref_slice %arg6[%dma_start3A, %dma_start3A_96, %dma_start3A_97] : memref<3x64x512xf32, #tpu.memory_space<vmem>> -> memref<1x8x512xf32, #tpu.memory_space<vmem>>
      %dma_start3A_99 = tpu.memref_squeeze %dma_start3A_98 : memref<1x8x512xf32, #tpu.memory_space<vmem>> -> memref<8x512xf32, #tpu.memory_space<vmem>>
      %dma_start3A_100 = arith.constant 0 : i32
      %dma_start3A_101 = tpu.memref_slice %arg3[%dma_start3A_100, %multiple_of3A] : memref<64x1000000xf32, #tpu.memory_space<hbm>> -> memref<8x512xf32, #tpu.memory_space<hbm>>
      tpu.enqueue_dma source(%dma_start3A_101 : memref<8x512xf32, #tpu.memory_space<hbm>>) target(%dma_start3A_99 : memref<8x512xf32, #tpu.memory_space<vmem>>) target_semaphore(%dma_start3A_95 : memref<!tpu.dma_semaphore, #tpu.memory_space<semaphore_mem>>)
      %dma_start3A_102 = arith.constant 2 : i32
      %dma_start3A_103 = arith.constant 2 : i32
      %dma_start3A_104 = arith.constant 8 : i32
      %dma_start3A_105 = arith.constant 0 : i32
      %dma_start3A_106 = tpu.memref_slice %arg6[%dma_start3A_102, %dma_start3A_104, %dma_start3A_105] : memref<3x64x512xf32, #tpu.memory_space<vmem>> -> memref<1x8x512xf32, #tpu.memory_space<vmem>>
      %dma_start3A_107 = tpu.memref_squeeze %dma_start3A_106 : memref<1x8x512xf32, #tpu.memory_space<vmem>> -> memref<8x512xf32, #tpu.memory_space<vmem>>
      %dma_start3A_108 = arith.constant 8 : i32
      %dma_start3A_109 = tpu.memref_slice %arg3[%dma_start3A_108, %multiple_of3A] : memref<64x1000000xf32, #tpu.memory_space<hbm>> -> memref<8x512xf32, #tpu.memory_space<hbm>>
      %dma_start3A_110 = tpu.memref_slice %arg11[%dma_start3A_103] : memref<3x!tpu.dma_semaphore, #tpu.memory_space<semaphore_mem>> -> memref<1x!tpu.dma_semaphore, #tpu.memory_space<semaphore_mem>>
      %dma_start3A_111 = tpu.memref_squeeze %dma_start3A_110 : memref<1x!tpu.dma_semaphore, #tpu.memory_space<semaphore_mem>> -> memref<!tpu.dma_semaphore, #tpu.memory_space<semaphore_mem>>
      %dma_start3A_112 = arith.constant 8 : i32
      %dma_start3A_113 = arith.constant 0 : i32
      %dma_start3A_114 = tpu.memref_slice %arg6[%dma_start3A_102, %dma_start3A_112, %dma_start3A_113] : memref<3x64x512xf32, #tpu.memory_space<vmem>> -> memref<1x8x512xf32, #tpu.memory_space<vmem>>
      %dma_start3A_115 = tpu.memref_squeeze %dma_start3A_114 : memref<1x8x512xf32, #tpu.memory_space<vmem>> -> memref<8x512xf32, #tpu.memory_space<vmem>>
      %dma_start3A_116 = arith.constant 8 : i32
      %dma_start3A_117 = tpu.memref_slice %arg3[%dma_start3A_116, %multiple_of3A] : memref<64x1000000xf32, #tpu.memory_space<hbm>> -> memref<8x512xf32, #tpu.memory_space<hbm>>
      tpu.enqueue_dma source(%dma_start3A_117 : memref<8x512xf32, #tpu.memory_space<hbm>>) target(%dma_start3A_115 : memref<8x512xf32, #tpu.memory_space<vmem>>) target_semaphore(%dma_start3A_111 : memref<!tpu.dma_semaphore, #tpu.memory_space<semaphore_mem>>)
      %dma_start3A_118 = arith.constant 2 : i32
      %dma_start3A_119 = arith.constant 2 : i32
      %dma_start3A_120 = arith.constant 16 : i32
      %dma_start3A_121 = arith.constant 0 : i32
      %dma_start3A_122 = tpu.memref_slice %arg6[%dma_start3A_118, %dma_start3A_120, %dma_start3A_121] : memref<3x64x512xf32, #tpu.memory_space<vmem>> -> memref<1x8x512xf32, #tpu.memory_space<vmem>>
      %dma_start3A_123 = tpu.memref_squeeze %dma_start3A_122 : memref<1x8x512xf32, #tpu.memory_space<vmem>> -> memref<8x512xf32, #tpu.memory_space<vmem>>
      %dma_start3A_124 = arith.constant 16 : i32
      %dma_start3A_125 = tpu.memref_slice %arg3[%dma_start3A_124, %multiple_of3A] : memref<64x1000000xf32, #tpu.memory_space<hbm>> -> memref<8x512xf32, #tpu.memory_space<hbm>>
      %dma_start3A_126 = tpu.memref_slice %arg11[%dma_start3A_119] : memref<3x!tpu.dma_semaphore, #tpu.memory_space<semaphore_mem>> -> memref<1x!tpu.dma_semaphore, #tpu.memory_space<semaphore_mem>>
      %dma_start3A_127 = tpu.memref_squeeze %dma_start3A_126 : memref<1x!tpu.dma_semaphore, #tpu.memory_space<semaphore_mem>> -> memref<!tpu.dma_semaphore, #tpu.memory_space<semaphore_mem>>
      %dma_start3A_128 = arith.constant 16 : i32
      %dma_start3A_129 = arith.constant 0 : i32
      %dma_start3A_130 = tpu.memref_slice %arg6[%dma_start3A_118, %dma_start3A_128, %dma_start3A_129] : memref<3x64x512xf32, #tpu.memory_space<vmem>> -> memref<1x8x512xf32, #tpu.memory_space<vmem>>
      %dma_start3A_131 = tpu.memref_squeeze %dma_start3A_130 : memref<1x8x512xf32, #tpu.memory_space<vmem>> -> memref<8x512xf32, #tpu.memory_space<vmem>>
      %dma_start3A_132 = arith.constant 16 : i32
      %dma_start3A_133 = tpu.memref_slice %arg3[%dma_start3A_132, %multiple_of3A] : memref<64x1000000xf32, #tpu.memory_space<hbm>> -> memref<8x512xf32, #tpu.memory_space<hbm>>
      tpu.enqueue_dma source(%dma_start3A_133 : memref<8x512xf32, #tpu.memory_space<hbm>>) target(%dma_start3A_131 : memref<8x512xf32, #tpu.memory_space<vmem>>) target_semaphore(%dma_start3A_127 : memref<!tpu.dma_semaphore, #tpu.memory_space<semaphore_mem>>)
      %dma_start3A_134 = arith.constant 2 : i32
      %dma_start3A_135 = arith.constant 2 : i32
      %dma_start3A_136 = arith.constant 24 : i32
      %dma_start3A_137 = arith.constant 0 : i32
      %dma_start3A_138 = tpu.memref_slice %arg6[%dma_start3A_134, %dma_start3A_136, %dma_start3A_137] : memref<3x64x512xf32, #tpu.memory_space<vmem>> -> memref<1x8x512xf32, #tpu.memory_space<vmem>>
      %dma_start3A_139 = tpu.memref_squeeze %dma_start3A_138 : memref<1x8x512xf32, #tpu.memory_space<vmem>> -> memref<8x512xf32, #tpu.memory_space<vmem>>
      %dma_start3A_140 = arith.constant 24 : i32
      %dma_start3A_141 = tpu.memref_slice %arg3[%dma_start3A_140, %multiple_of3A] : memref<64x1000000xf32, #tpu.memory_space<hbm>> -> memref<8x512xf32, #tpu.memory_space<hbm>>
      %dma_start3A_142 = tpu.memref_slice %arg11[%dma_start3A_135] : memref<3x!tpu.dma_semaphore, #tpu.memory_space<semaphore_mem>> -> memref<1x!tpu.dma_semaphore, #tpu.memory_space<semaphore_mem>>
      %dma_start3A_143 = tpu.memref_squeeze %dma_start3A_142 : memref<1x!tpu.dma_semaphore, #tpu.memory_space<semaphore_mem>> -> memref<!tpu.dma_semaphore, #tpu.memory_space<semaphore_mem>>
      %dma_start3A_144 = arith.constant 24 : i32
      %dma_start3A_145 = arith.constant 0 : i32
      %dma_start3A_146 = tpu.memref_slice %arg6[%dma_start3A_134, %dma_start3A_144, %dma_start3A_145] : memref<3x64x512xf32, #tpu.memory_space<vmem>> -> memref<1x8x512xf32, #tpu.memory_space<vmem>>
      %dma_start3A_147 = tpu.memref_squeeze %dma_start3A_146 : memref<1x8x512xf32, #tpu.memory_space<vmem>> -> memref<8x512xf32, #tpu.memory_space<vmem>>
      %dma_start3A_148 = arith.constant 24 : i32
      %dma_start3A_149 = tpu.memref_slice %arg3[%dma_start3A_148, %multiple_of3A] : memref<64x1000000xf32, #tpu.memory_space<hbm>> -> memref<8x512xf32, #tpu.memory_space<hbm>>
      tpu.enqueue_dma source(%dma_start3A_149 : memref<8x512xf32, #tpu.memory_space<hbm>>) target(%dma_start3A_147 : memref<8x512xf32, #tpu.memory_space<vmem>>) target_semaphore(%dma_start3A_143 : memref<!tpu.dma_semaphore, #tpu.memory_space<semaphore_mem>>)
      %dma_start3A_150 = arith.constant 2 : i32
      %dma_start3A_151 = arith.constant 2 : i32
      %dma_start3A_152 = arith.constant 32 : i32
      %dma_start3A_153 = arith.constant 0 : i32
      %dma_start3A_154 = tpu.memref_slice %arg6[%dma_start3A_150, %dma_start3A_152, %dma_start3A_153] : memref<3x64x512xf32, #tpu.memory_space<vmem>> -> memref<1x8x512xf32, #tpu.memory_space<vmem>>
      %dma_start3A_155 = tpu.memref_squeeze %dma_start3A_154 : memref<1x8x512xf32, #tpu.memory_space<vmem>> -> memref<8x512xf32, #tpu.memory_space<vmem>>
      %dma_start3A_156 = arith.constant 32 : i32
      %dma_start3A_157 = tpu.memref_slice %arg3[%dma_start3A_156, %multiple_of3A] : memref<64x1000000xf32, #tpu.memory_space<hbm>> -> memref<8x512xf32, #tpu.memory_space<hbm>>
      %dma_start3A_158 = tpu.memref_slice %arg11[%dma_start3A_151] : memref<3x!tpu.dma_semaphore, #tpu.memory_space<semaphore_mem>> -> memref<1x!tpu.dma_semaphore, #tpu.memory_space<semaphore_mem>>
      %dma_start3A_159 = tpu.memref_squeeze %dma_start3A_158 : memref<1x!tpu.dma_semaphore, #tpu.memory_space<semaphore_mem>> -> memref<!tpu.dma_semaphore, #tpu.memory_space<semaphore_mem>>
      %dma_start3A_160 = arith.constant 32 : i32
      %dma_start3A_161 = arith.constant 0 : i32
      %dma_start3A_162 = tpu.memref_slice %arg6[%dma_start3A_150, %dma_start3A_160, %dma_start3A_161] : memref<3x64x512xf32, #tpu.memory_space<vmem>> -> memref<1x8x512xf32, #tpu.memory_space<vmem>>
      %dma_start3A_163 = tpu.memref_squeeze %dma_start3A_162 : memref<1x8x512xf32, #tpu.memory_space<vmem>> -> memref<8x512xf32, #tpu.memory_space<vmem>>
      %dma_start3A_164 = arith.constant 32 : i32
      %dma_start3A_165 = tpu.memref_slice %arg3[%dma_start3A_164, %multiple_of3A] : memref<64x1000000xf32, #tpu.memory_space<hbm>> -> memref<8x512xf32, #tpu.memory_space<hbm>>
      tpu.enqueue_dma source(%dma_start3A_165 : memref<8x512xf32, #tpu.memory_space<hbm>>) target(%dma_start3A_163 : memref<8x512xf32, #tpu.memory_space<vmem>>) target_semaphore(%dma_start3A_159 : memref<!tpu.dma_semaphore, #tpu.memory_space<semaphore_mem>>)
      %dma_start3A_166 = arith.constant 2 : i32
      %dma_start3A_167 = arith.constant 2 : i32
      %dma_start3A_168 = arith.constant 40 : i32
      %dma_start3A_169 = arith.constant 0 : i32
      %dma_start3A_170 = tpu.memref_slice %arg6[%dma_start3A_166, %dma_start3A_168, %dma_start3A_169] : memref<3x64x512xf32, #tpu.memory_space<vmem>> -> memref<1x8x512xf32, #tpu.memory_space<vmem>>
      %dma_start3A_171 = tpu.memref_squeeze %dma_start3A_170 : memref<1x8x512xf32, #tpu.memory_space<vmem>> -> memref<8x512xf32, #tpu.memory_space<vmem>>
      %dma_start3A_172 = arith.constant 40 : i32
      %dma_start3A_173 = tpu.memref_slice %arg3[%dma_start3A_172, %multiple_of3A] : memref<64x1000000xf32, #tpu.memory_space<hbm>> -> memref<8x512xf32, #tpu.memory_space<hbm>>
      %dma_start3A_174 = tpu.memref_slice %arg11[%dma_start3A_167] : memref<3x!tpu.dma_semaphore, #tpu.memory_space<semaphore_mem>> -> memref<1x!tpu.dma_semaphore, #tpu.memory_space<semaphore_mem>>
      %dma_start3A_175 = tpu.memref_squeeze %dma_start3A_174 : memref<1x!tpu.dma_semaphore, #tpu.memory_space<semaphore_mem>> -> memref<!tpu.dma_semaphore, #tpu.memory_space<semaphore_mem>>
      %dma_start3A_176 = arith.constant 40 : i32
      %dma_start3A_177 = arith.constant 0 : i32
      %dma_start3A_178 = tpu.memref_slice %arg6[%dma_start3A_166, %dma_start3A_176, %dma_start3A_177] : memref<3x64x512xf32, #tpu.memory_space<vmem>> -> memref<1x8x512xf32, #tpu.memory_space<vmem>>
      %dma_start3A_179 = tpu.memref_squeeze %dma_start3A_178 : memref<1x8x512xf32, #tpu.memory_space<vmem>> -> memref<8x512xf32, #tpu.memory_space<vmem>>
      %dma_start3A_180 = arith.constant 40 : i32
      %dma_start3A_181 = tpu.memref_slice %arg3[%dma_start3A_180, %multiple_of3A] : memref<64x1000000xf32, #tpu.memory_space<hbm>> -> memref<8x512xf32, #tpu.memory_space<hbm>>
      tpu.enqueue_dma source(%dma_start3A_181 : memref<8x512xf32, #tpu.memory_space<hbm>>) target(%dma_start3A_179 : memref<8x512xf32, #tpu.memory_space<vmem>>) target_semaphore(%dma_start3A_175 : memref<!tpu.dma_semaphore, #tpu.memory_space<semaphore_mem>>)
      %dma_start3A_182 = arith.constant 2 : i32
      %dma_start3A_183 = arith.constant 2 : i32
      %dma_start3A_184 = arith.constant 48 : i32
      %dma_start3A_185 = arith.constant 0 : i32
      %dma_start3A_186 = tpu.memref_slice %arg6[%dma_start3A_182, %dma_start3A_184, %dma_start3A_185] : memref<3x64x512xf32, #tpu.memory_space<vmem>> -> memref<1x8x512xf32, #tpu.memory_space<vmem>>
      %dma_start3A_187 = tpu.memref_squeeze %dma_start3A_186 : memref<1x8x512xf32, #tpu.memory_space<vmem>> -> memref<8x512xf32, #tpu.memory_space<vmem>>
      %dma_start3A_188 = arith.constant 48 : i32
      %dma_start3A_189 = tpu.memref_slice %arg3[%dma_start3A_188, %multiple_of3A] : memref<64x1000000xf32, #tpu.memory_space<hbm>> -> memref<8x512xf32, #tpu.memory_space<hbm>>
      %dma_start3A_190 = tpu.memref_slice %arg11[%dma_start3A_183] : memref<3x!tpu.dma_semaphore, #tpu.memory_space<semaphore_mem>> -> memref<1x!tpu.dma_semaphore, #tpu.memory_space<semaphore_mem>>
      %dma_start3A_191 = tpu.memref_squeeze %dma_start3A_190 : memref<1x!tpu.dma_semaphore, #tpu.memory_space<semaphore_mem>> -> memref<!tpu.dma_semaphore, #tpu.memory_space<semaphore_mem>>
      %dma_start3A_192 = arith.constant 48 : i32
      %dma_start3A_193 = arith.constant 0 : i32
      %dma_start3A_194 = tpu.memref_slice %arg6[%dma_start3A_182, %dma_start3A_192, %dma_start3A_193] : memref<3x64x512xf32, #tpu.memory_space<vmem>> -> memref<1x8x512xf32, #tpu.memory_space<vmem>>
      %dma_start3A_195 = tpu.memref_squeeze %dma_start3A_194 : memref<1x8x512xf32, #tpu.memory_space<vmem>> -> memref<8x512xf32, #tpu.memory_space<vmem>>
      %dma_start3A_196 = arith.constant 48 : i32
      %dma_start3A_197 = tpu.memref_slice %arg3[%dma_start3A_196, %multiple_of3A] : memref<64x1000000xf32, #tpu.memory_space<hbm>> -> memref<8x512xf32, #tpu.memory_space<hbm>>
      tpu.enqueue_dma source(%dma_start3A_197 : memref<8x512xf32, #tpu.memory_space<hbm>>) target(%dma_start3A_195 : memref<8x512xf32, #tpu.memory_space<vmem>>) target_semaphore(%dma_start3A_191 : memref<!tpu.dma_semaphore, #tpu.memory_space<semaphore_mem>>)
      %dma_start3A_198 = arith.constant 2 : i32
      %dma_start3A_199 = arith.constant 2 : i32
      %dma_start3A_200 = arith.constant 56 : i32
      %dma_start3A_201 = arith.constant 0 : i32
      %dma_start3A_202 = tpu.memref_slice %arg6[%dma_start3A_198, %dma_start3A_200, %dma_start3A_201] : memref<3x64x512xf32, #tpu.memory_space<vmem>> -> memref<1x8x512xf32, #tpu.memory_space<vmem>>
      %dma_start3A_203 = tpu.memref_squeeze %dma_start3A_202 : memref<1x8x512xf32, #tpu.memory_space<vmem>> -> memref<8x512xf32, #tpu.memory_space<vmem>>
      %dma_start3A_204 = arith.constant 56 : i32
      %dma_start3A_205 = tpu.memref_slice %arg3[%dma_start3A_204, %multiple_of3A] : memref<64x1000000xf32, #tpu.memory_space<hbm>> -> memref<8x512xf32, #tpu.memory_space<hbm>>
      %dma_start3A_206 = tpu.memref_slice %arg11[%dma_start3A_199] : memref<3x!tpu.dma_semaphore, #tpu.memory_space<semaphore_mem>> -> memref<1x!tpu.dma_semaphore, #tpu.memory_space<semaphore_mem>>
      %dma_start3A_207 = tpu.memref_squeeze %dma_start3A_206 : memref<1x!tpu.dma_semaphore, #tpu.memory_space<semaphore_mem>> -> memref<!tpu.dma_semaphore, #tpu.memory_space<semaphore_mem>>
      %dma_start3A_208 = arith.constant 56 : i32
      %dma_start3A_209 = arith.constant 0 : i32
      %dma_start3A_210 = tpu.memref_slice %arg6[%dma_start3A_198, %dma_start3A_208, %dma_start3A_209] : memref<3x64x512xf32, #tpu.memory_space<vmem>> -> memref<1x8x512xf32, #tpu.memory_space<vmem>>
      %dma_start3A_211 = tpu.memref_squeeze %dma_start3A_210 : memref<1x8x512xf32, #tpu.memory_space<vmem>> -> memref<8x512xf32, #tpu.memory_space<vmem>>
      %dma_start3A_212 = arith.constant 56 : i32
      %dma_start3A_213 = tpu.memref_slice %arg3[%dma_start3A_212, %multiple_of3A] : memref<64x1000000xf32, #tpu.memory_space<hbm>> -> memref<8x512xf32, #tpu.memory_space<hbm>>
      tpu.enqueue_dma source(%dma_start3A_213 : memref<8x512xf32, #tpu.memory_space<hbm>>) target(%dma_start3A_211 : memref<8x512xf32, #tpu.memory_space<vmem>>) target_semaphore(%dma_start3A_207 : memref<!tpu.dma_semaphore, #tpu.memory_space<semaphore_mem>>)
    } else {
    }
    "tpu.region"() ({
      %run_scoped3A = tpu.sem_alloc : memref<!tpu.dma_semaphore, #tpu.memory_space<semaphore_mem>>
      tpu.enqueue_dma source(%arg2 : memref<16384xi32, #tpu.memory_space<hbm>>) target(%arg5 : memref<16384xi32, #tpu.memory_space<vmem>>) target_semaphore(%run_scoped3A : memref<!tpu.dma_semaphore, #tpu.memory_space<semaphore_mem>>)
      tpu.wait_dma2 semaphore(%run_scoped3A : memref<!tpu.dma_semaphore, #tpu.memory_space<semaphore_mem>>) src(%arg2 : memref<16384xi32, #tpu.memory_space<hbm>>) dst(%arg5 : memref<16384xi32, #tpu.memory_space<vmem>>)
      tpu.yield
    }) : () -> ()
    %scan3A = arith.constant 0 : i32
    %scan3A_24 = arith.constant 0 : i32
    %scan3A_25 = arith.constant 1024 : i32
    %scan3A_26 = arith.addi %scan3A_24, %scan3A_25 : i32
    %scan3A_27 = arith.constant 1 : i32
    %scan3A_28 = scf.for %scan3A_85 = %scan3A_24 to %scan3A_26 step %scan3A_27 iter_args(%scan3A_86 = %scan3A) -> (i32)  : i32 {
      %mul3A_87 = arith.constant 16 : i32
      %mul3A_88 = arith.muli %scan3A_85, %mul3A_87 : i32
      %get3A_89 = arith.index_cast %mul3A_88 : i32 to index
      %get3A_90 = tpu.vector_load %arg5[%get3A_89] {strides = array<i32>} : memref<16384xi32, #tpu.memory_space<vmem>>, vector<16xi32>,
      %ge3A_91 = vector.broadcast %mul3A_2 : i32 to vector<16xi32>
      %ge3A_92 = arith.cmpi sge, %get3A_90, %ge3A_91 : vector<16xi32>
      %lt3A_93 = vector.broadcast %min3A_5 : i32 to vector<16xi32>
      %lt3A_94 = arith.cmpi slt, %get3A_90, %lt3A_93 : vector<16xi32>
      %and3A = arith.andi %ge3A_92, %lt3A_94 : vector<16xi1>
      %all_reduce_population_count3A = tpu.all_reduce %and3A {dim = 0 : i64, kind = #tpu.reduction_kind<sum>} : vector<16xi1> -> vector<16xi32>
      %slice3A = vector.extract_strided_slice %all_reduce_population_count3A {offsets = [0], sizes = [1], strides = [1]} : vector<16xi32> to vector<1xi32>
      %squeeze3A = vector.extract %slice3A[0] : i32 from vector<1xi32>
      %gt3A_95 = arith.constant 0 : i32
      %gt3A_96 = arith.cmpi sgt, %squeeze3A, %gt3A_95 : i32
      %convert_element_type3A_97 = arith.extui %gt3A_96 : i1 to i32
      %cond3A_98 = arith.constant 0 : i32
      %cond3A_99 = arith.cmpi ne, %convert_element_type3A_97, %cond3A_98 : i32
      scf.if %cond3A_99 {
        %sub3A = vector.broadcast %mul3A_2 : i32 to vector<16xi32>
        %sub3A_103 = arith.subi %get3A_90, %sub3A : vector<16xi32>
        %mul3A_104 = arith.constant 16 : i32
        %mul3A_105 = arith.muli %scan3A_85, %mul3A_104 : i32
        %add3A_106 = vector.broadcast %mul3A_105 : i32 to vector<16xi32>
        %add3A_107 = arith.addi %add3A_106, %iota3A : vector<16xi32>
        %shift_left3A = arith.constant 15 : i32
        %shift_left3A_108 = vector.broadcast %shift_left3A : i32 to vector<16xi32>
        %shift_left3A_109 = arith.shli %add3A_107, %shift_left3A_108 : vector<16xi32>
        %or3A = arith.ori %sub3A_103, %shift_left3A_109 : vector<16xi32>
        %swap3A_110 = arith.index_cast %scan3A_86 : i32 to index
        %swap3A_111 = tpu.vector_load %arg7[%swap3A_110] masked %and3A {strides = array<i32>} : memref<2048xi32, #tpu.memory_space<vmem>>, vector<16xi32>, vector<16xi1>
        tpu.vector_store %arg7[%swap3A_110], %or3A masked %and3A {strides = array<i32>} : memref<2048xi32, #tpu.memory_space<vmem>>, vector<16xi32>, vector<16xi1>
      } else {
      }
      %add3A_100 = arith.addi %scan3A_86, %squeeze3A : i32
      %min3A_101 = arith.constant 2032 : i32
      %min3A_102 = arith.minsi %add3A_100, %min3A_101 : i32
      scf.yield %min3A_102 : i32
    }
    %scan3A_29 = arith.constant 1024 : i32
    %broadcast_in_dim3A = arith.constant 1073741824 : i32
    %broadcast_in_dim3A_30 = vector.broadcast %broadcast_in_dim3A : i32 to vector<16xi32>
    %swap3A = arith.index_cast %scan3A_28 : i32 to index
    %swap3A_31 = tpu.vector_load %arg7[%swap3A] {strides = array<i32>} : memref<2048xi32, #tpu.memory_space<vmem>>, vector<16xi32>,
    tpu.vector_store %arg7[%swap3A], %broadcast_in_dim3A_30 {strides = array<i32>} : memref<2048xi32, #tpu.memory_space<vmem>>, vector<16xi32>,
    %add3A_32 = arith.constant 15 : i32
    %add3A_33 = arith.addi %scan3A_28, %add3A_32 : i32
    %shift_right_arithmetic3A = arith.constant 4 : i32
    %shift_right_arithmetic3A_34 = arith.shrsi %add3A_33, %shift_right_arithmetic3A : i32
    %broadcast_in_dim3A_35 = arith.constant 16384 : i32
    %broadcast_in_dim3A_36 = vector.broadcast %broadcast_in_dim3A_35 : i32 to vector<16xi32>
    %swap3A_37 = arith.constant 0 : i32
    %swap3A_38 = arith.index_cast %swap3A_37 : i32 to index
    %swap3A_39 = arith.constant 0 : index
    %swap3A_40 = tpu.vector_load %arg10[%swap3A_38, %swap3A_39] {strides = array<i32>} : memref<2x16xi32, #tpu.memory_space<vmem>>, vector<16xi32>,
    tpu.vector_store %arg10[%swap3A_38, %swap3A_39], %broadcast_in_dim3A_36 {strides = array<i32>} : memref<2x16xi32, #tpu.memory_space<vmem>>, vector<16xi32>,
    %broadcast_in_dim3A_41 = arith.constant 16384 : i32
    %broadcast_in_dim3A_42 = vector.broadcast %broadcast_in_dim3A_41 : i32 to vector<16xi32>
    %swap3A_43 = arith.constant 1 : i32
    %swap3A_44 = arith.index_cast %swap3A_43 : i32 to index
    %swap3A_45 = arith.constant 0 : index
    %swap3A_46 = tpu.vector_load %arg10[%swap3A_44, %swap3A_45] {strides = array<i32>} : memref<2x16xi32, #tpu.memory_space<vmem>>, vector<16xi32>,
    tpu.vector_store %arg10[%swap3A_44, %swap3A_45], %broadcast_in_dim3A_42 {strides = array<i32>} : memref<2x16xi32, #tpu.memory_space<vmem>>, vector<16xi32>,
    %swap3A_47 = arith.constant 0 : i32
    %swap3A_48 = arith.constant 0 : i32
    %swap3A_49 = arith.index_cast %swap3A_48 : i32 to index
    %swap3A_50 = memref.load %arg13[%swap3A_49] : memref<1xi32, #tpu.memory_space<smem>>
    memref.store %swap3A_47, %arg13[%swap3A_49] : memref<1xi32, #tpu.memory_space<smem>>
    %add3A_51 = arith.constant 0 : i32
    %add3A_52 = vector.broadcast %add3A_51 : i32 to vector<16xi32>
    %add3A_53 = arith.addi %add3A_52, %iota3A : vector<16xi32>
    %add3A_54 = arith.constant 16 : i32
    %add3A_55 = vector.broadcast %add3A_54 : i32 to vector<16xi32>
    %add3A_56 = arith.addi %add3A_55, %iota3A : vector<16xi32>
    %add3A_57 = arith.constant 32 : i32
    %add3A_58 = vector.broadcast %add3A_57 : i32 to vector<16xi32>
    %add3A_59 = arith.addi %add3A_58, %iota3A : vector<16xi32>
    %add3A_60 = arith.constant 48 : i32
    %add3A_61 = vector.broadcast %add3A_60 : i32 to vector<16xi32>
    %add3A_62 = arith.addi %add3A_61, %iota3A : vector<16xi32>
    %scan3A_63 = arith.constant 0 : i32
    %scan3A_64 = arith.constant 0 : i32
    %scan3A_65 = arith.constant 62 : i32
    %scan3A_66 = arith.addi %scan3A_64, %scan3A_65 : i32
    %scan3A_67 = arith.constant 1 : i32
    %scan3A_68 = scf.for %scan3A_85 = %scan3A_64 to %scan3A_66 step %scan3A_67 iter_args(%scan3A_86 = %scan3A_63) -> (i32)  : i32 {
      %rem3A = arith.constant 3 : i32
      %rem3A_87 = arith.remsi %scan3A_85, %rem3A : i32
      %mul3A_88 = arith.constant 512 : i32
      %mul3A_89 = arith.muli %scan3A_85, %mul3A_88 : i32
      %add3A_90 = arith.addi %mul3A_2, %mul3A_89 : i32
      %lt3A_91 = arith.constant 1000000 : i32
      %lt3A_92 = arith.cmpi slt, %add3A_90, %lt3A_91 : i32
      %convert_element_type3A_93 = arith.extui %lt3A_92 : i1 to i32
      %cond3A_94 = arith.constant 0 : i32
      %cond3A_95 = arith.cmpi ne, %convert_element_type3A_93, %cond3A_94 : i32
      scf.if %cond3A_95 {
        %dma_wait3A = arith.constant 0 : i32
        %dma_wait3A_119 = arith.constant 0 : i32
        %dma_wait3A_120 = tpu.memref_slice %arg6[%rem3A_87, %dma_wait3A, %dma_wait3A_119] : memref<3x64x512xf32, #tpu.memory_space<vmem>> -> memref<1x64x512xf32, #tpu.memory_space<vmem>>
        %dma_wait3A_121 = tpu.memref_squeeze %dma_wait3A_120 : memref<1x64x512xf32, #tpu.memory_space<vmem>> -> memref<64x512xf32, #tpu.memory_space<vmem>>
        %dma_wait3A_122 = arith.constant 0 : i32
        %dma_wait3A_123 = arith.constant 0 : i32
        %dma_wait3A_124 = tpu.memref_slice %arg3[%dma_wait3A_122, %dma_wait3A_123] : memref<64x1000000xf32, #tpu.memory_space<hbm>> -> memref<64x512xf32, #tpu.memory_space<hbm>>
        %dma_wait3A_125 = tpu.memref_slice %arg11[%rem3A_87] : memref<3x!tpu.dma_semaphore, #tpu.memory_space<semaphore_mem>> -> memref<1x!tpu.dma_semaphore, #tpu.memory_space<semaphore_mem>>
        %dma_wait3A_126 = tpu.memref_squeeze %dma_wait3A_125 : memref<1x!tpu.dma_semaphore, #tpu.memory_space<semaphore_mem>> -> memref<!tpu.dma_semaphore, #tpu.memory_space<semaphore_mem>>
        %dma_wait3A_127 = arith.constant 0 : i32
        %dma_wait3A_128 = arith.constant 0 : i32
        %dma_wait3A_129 = tpu.memref_slice %arg6[%rem3A_87, %dma_wait3A_127, %dma_wait3A_128] : memref<3x64x512xf32, #tpu.memory_space<vmem>> -> memref<1x64x512xf32, #tpu.memory_space<vmem>>
        %dma_wait3A_130 = tpu.memref_squeeze %dma_wait3A_129 : memref<1x64x512xf32, #tpu.memory_space<vmem>> -> memref<64x512xf32, #tpu.memory_space<vmem>>
        %dma_wait3A_131 = arith.constant 0 : i32
        %dma_wait3A_132 = arith.constant 0 : i32
        %dma_wait3A_133 = tpu.memref_slice %arg3[%dma_wait3A_131, %dma_wait3A_132] : memref<64x1000000xf32, #tpu.memory_space<hbm>> -> memref<64x512xf32, #tpu.memory_space<hbm>>
        tpu.wait_dma2 semaphore(%dma_wait3A_126 : memref<!tpu.dma_semaphore, #tpu.memory_space<semaphore_mem>>) src(%dma_wait3A_133 : memref<64x512xf32, #tpu.memory_space<hbm>>) dst(%dma_wait3A_130 : memref<64x512xf32, #tpu.memory_space<vmem>>)
      } else {
      }
      %mul3A_96 = arith.constant 512 : i32
      %mul3A_97 = arith.muli %scan3A_85, %mul3A_96 : i32
      %add3A_98 = arith.addi %mul3A_2, %mul3A_97 : i32
      %min3A_99 = arith.constant 999552 : i32
      %min3A_100 = arith.minsi %add3A_98, %min3A_99 : i32
      %sub3A = arith.subi %min3A_100, %mul3A_2 : i32
      %broadcast_in_dim3A_101 = vector.broadcast %rem3A_87 : i32 to vector<16xi32>
      %while3A = arith.constant 0 : i32
      %while3A_102 = arith.subi %shift_right_arithmetic3A_34, %while3A : i32
      %while3A_103 = arith.addi %while3A, %while3A_102 : i32
      %while3A_104 = arith.constant 1 : i32
      %while3A_105 = arith.divsi %while3A_102, %while3A_104 : i32
      %while3A_106 = arith.muli %while3A_105, %while3A_104 : i32
      %while3A_107 = arith.addi %while3A, %while3A_106 : i32
      %while3A_108 = arith.constant 1 : i32
      %while3A_109 = scf.for %while3A_119 = %while3A to %while3A_107 step %while3A_108 iter_args(%while3A_120 = %scan3A_86) -> (i32)  : i32 {
        %mul3A_121 = arith.constant 16 : i32
        %mul3A_122 = arith.muli %while3A_119, %mul3A_121 : i32
        %get3A_123 = arith.index_cast %mul3A_122 : i32 to index
        %get3A_124 = tpu.vector_load %arg7[%get3A_123] {strides = array<i32>} : memref<2048xi32, #tpu.memory_space<vmem>>, vector<16xi32>,
        %and3A = arith.constant 32767 : i32
        %and3A_125 = vector.broadcast %and3A : i32 to vector<16xi32>
        %and3A_126 = arith.andi %get3A_124, %and3A_125 : vector<16xi32>
        %shift_right_arithmetic3A_127 = arith.constant 9 : i32
        %shift_right_arithmetic3A_128 = vector.broadcast %shift_right_arithmetic3A_127 : i32 to vector<16xi32>
        %shift_right_arithmetic3A_129 = arith.shrsi %and3A_126, %shift_right_arithmetic3A_128 : vector<16xi32>
        %eq3A = vector.broadcast %scan3A_85 : i32 to vector<16xi32>
        %eq3A_130 = arith.cmpi eq, %shift_right_arithmetic3A_129, %eq3A : vector<16xi32>
        %all_reduce_population_count3A = tpu.all_reduce %eq3A_130 {dim = 0 : i64, kind = #tpu.reduction_kind<sum>} : vector<16xi1> -> vector<16xi32>
        %slice3A = vector.extract_strided_slice %all_reduce_population_count3A {offsets = [0], sizes = [1], strides = [1]} : vector<16xi32> to vector<1xi32>
        %squeeze3A = vector.extract %slice3A[0] : i32 from vector<1xi32>
        %swap3A_131 = arith.constant 0 : index
        %swap3A_132 = tpu.vector_load %arg8[%swap3A_131] masked %eq3A_130 {strides = array<i32>} : memref<16xi32, #tpu.memory_space<vmem>>, vector<16xi32>, vector<16xi1>
        tpu.vector_store %arg8[%swap3A_131], %get3A_124 masked %eq3A_130 {strides = array<i32>} : memref<16xi32, #tpu.memory_space<vmem>>, vector<16xi32>, vector<16xi1>
        %while3A_133 = arith.constant 0 : i32
        %while3A_134:2 = scf.while (%while3A_135 = %while3A_133, %while3A_136 = %while3A_120) : (i32, i32) -> (i32, i32) {
          %lt3A_137 = arith.cmpi slt, %while3A_135, %squeeze3A : i32
          scf.condition(%lt3A_137) %while3A_135, %while3A_136 : i32, i32
        } do {
        ^bb0(%while3A_135: i32, %while3A_136: i32):
          %get3A_137 = arith.constant 0 : i32
          %get3A_138 = arith.index_cast %get3A_137 : i32 to index
          %get3A_139 = memref.load %arg13[%get3A_138] : memref<1xi32, #tpu.memory_space<smem>>
          %rem3A_140 = arith.constant 2 : i32
          %rem3A_141 = arith.remsi %get3A_139, %rem3A_140 : i32
          %eq3A_142 = arith.constant 0 : i32
          %eq3A_143 = arith.cmpi eq, %while3A_136, %eq3A_142 : i32
          %convert_element_type3A_144 = arith.extui %eq3A_143 : i1 to i32
          %cond3A_145 = arith.constant 0 : i32
          %cond3A_146 = arith.cmpi ne, %convert_element_type3A_144, %cond3A_145 : i32
          scf.if %cond3A_146 {
            %ge3A_194 = arith.constant 2 : i32
            %ge3A_195 = arith.cmpi sge, %get3A_139, %ge3A_194 : i32
            %convert_element_type3A_196 = arith.extui %ge3A_195 : i1 to i32
            %cond3A_197 = arith.constant 0 : i32
            %cond3A_198 = arith.cmpi ne, %convert_element_type3A_196, %cond3A_197 : i32
            scf.if %cond3A_198 {
              %dma_wait3A = arith.constant 0 : i32
              %dma_wait3A_204 = arith.constant 0 : i32
              %dma_wait3A_205 = tpu.memref_slice %arg9[%rem3A_141, %dma_wait3A, %dma_wait3A_204] : memref<2x16x128xf32, #tpu.memory_space<vmem>> -> memref<1x16x128xf32, #tpu.memory_space<vmem>>
              %dma_wait3A_206 = tpu.memref_squeeze %dma_wait3A_205 : memref<1x16x128xf32, #tpu.memory_space<vmem>> -> memref<16x128xf32, #tpu.memory_space<vmem>>
              %dma_wait3A_207 = arith.constant 0 : i32
              %dma_wait3A_208 = tpu.memref_slice %arg10[%rem3A_141, %dma_wait3A_207] : memref<2x16xi32, #tpu.memory_space<vmem>> -> memref<1x16xi32, #tpu.memory_space<vmem>>
              %dma_wait3A_209 = tpu.memref_squeeze %dma_wait3A_208 : memref<1x16xi32, #tpu.memory_space<vmem>> -> memref<16xi32, #tpu.memory_space<vmem>>
              %dma_wait3A_210 = arith.constant 0 : i32
              %dma_wait3A_211 = arith.constant 0 : i32
              %dma_wait3A_212 = tpu.memref_slice %arg4[%dma_wait3A_210, %dma_wait3A_211] : memref<16512x128xf32, #tpu.memory_space<hbm>> -> memref<16512x128xf32, #tpu.memory_space<hbm>>
              %dma_wait3A_213 = tpu.memref_slice %arg12[%rem3A_141] : memref<2x!tpu.dma_semaphore, #tpu.memory_space<semaphore_mem>> -> memref<1x!tpu.dma_semaphore, #tpu.memory_space<semaphore_mem>>
              %dma_wait3A_214 = tpu.memref_squeeze %dma_wait3A_213 : memref<1x!tpu.dma_semaphore, #tpu.memory_space<semaphore_mem>> -> memref<!tpu.dma_semaphore, #tpu.memory_space<semaphore_mem>>
              tpu.wait_indirect_dma semaphore(%dma_wait3A_214 : memref<!tpu.dma_semaphore, #tpu.memory_space<semaphore_mem>>) src(%dma_wait3A_206 : memref<16x128xf32, #tpu.memory_space<vmem>>) dst(%dma_wait3A_212 : memref<16512x128xf32, #tpu.memory_space<hbm>>)
            } else {
            }
            %broadcast_in_dim3A_199 = arith.constant 16384 : i32
            %broadcast_in_dim3A_200 = vector.broadcast %broadcast_in_dim3A_199 : i32 to vector<16xi32>
            %swap3A_201 = arith.index_cast %rem3A_141 : i32 to index
            %swap3A_202 = arith.constant 0 : index
            %swap3A_203 = tpu.vector_load %arg10[%swap3A_201, %swap3A_202] {strides = array<i32>} : memref<2x16xi32, #tpu.memory_space<vmem>>, vector<16xi32>,
            tpu.vector_store %arg10[%swap3A_201, %swap3A_202], %broadcast_in_dim3A_200 {strides = array<i32>} : memref<2x16xi32, #tpu.memory_space<vmem>>, vector<16xi32>,
          } else {
          }
          %broadcast_in_dim3A_147 = vector.broadcast %while3A_135 : i32 to vector<16xi32>
          %gather3A = tpu.vector_load_idx %arg8[%broadcast_in_dim3A_147] : memref<16xi32, #tpu.memory_space<vmem>>[vector<16xi32>], vector<16xi32>,
          %slice3A_148 = vector.extract_strided_slice %gather3A {offsets = [0], sizes = [1], strides = [1]} : vector<16xi32> to vector<1xi32>
          %squeeze3A_149 = vector.extract %slice3A_148[0] : i32 from vector<1xi32>
          %and3A_150 = arith.constant 32767 : i32
          %and3A_151 = arith.andi %squeeze3A_149, %and3A_150 : i32
          %sub3A_152 = arith.subi %and3A_151, %sub3A : i32
          %shift_right_arithmetic3A_153 = arith.constant 15 : i32
          %shift_right_arithmetic3A_154 = arith.shrsi %squeeze3A_149, %shift_right_arithmetic3A_153 : i32
          %broadcast_in_dim3A_155 = vector.broadcast %sub3A_152 : i32 to vector<16xi32>
          %gather3A_156 = tpu.vector_load_idx %arg6[%broadcast_in_dim3A_101, %add3A_53, %broadcast_in_dim3A_155] : memref<3x64x512xf32, #tpu.memory_space<vmem>>[vector<16xi32>, vector<16xi32>, vector<16xi32>], vector<16xf32>,
          %swap3A_157 = arith.index_cast %rem3A_141 : i32 to index
          %swap3A_158 = arith.index_cast %while3A_136 : i32 to index
          %swap3A_159 = arith.constant 0 : index
          %swap3A_160 = tpu.vector_load %arg9[%swap3A_157, %swap3A_158, %swap3A_159] {strides = array<i32>} : memref<2x16x128xf32, #tpu.memory_space<vmem>>, vector<16xf32>,
          tpu.vector_store %arg9[%swap3A_157, %swap3A_158, %swap3A_159], %gather3A_156 {strides = array<i32>} : memref<2x16x128xf32, #tpu.memory_space<vmem>>, vector<16xf32>,
          %gather3A_161 = tpu.vector_load_idx %arg6[%broadcast_in_dim3A_101, %add3A_56, %broadcast_in_dim3A_155] : memref<3x64x512xf32, #tpu.memory_space<vmem>>[vector<16xi32>, vector<16xi32>, vector<16xi32>], vector<16xf32>,
          %swap3A_162 = arith.index_cast %rem3A_141 : i32 to index
          %swap3A_163 = arith.index_cast %while3A_136 : i32 to index
          %swap3A_164 = arith.constant 16 : index
          %swap3A_165 = tpu.vector_load %arg9[%swap3A_162, %swap3A_163, %swap3A_164] {strides = array<i32>} : memref<2x16x128xf32, #tpu.memory_space<vmem>>, vector<16xf32>,
          tpu.vector_store %arg9[%swap3A_162, %swap3A_163, %swap3A_164], %gather3A_161 {strides = array<i32>} : memref<2x16x128xf32, #tpu.memory_space<vmem>>, vector<16xf32>,
          %gather3A_166 = tpu.vector_load_idx %arg6[%broadcast_in_dim3A_101, %add3A_59, %broadcast_in_dim3A_155] : memref<3x64x512xf32, #tpu.memory_space<vmem>>[vector<16xi32>, vector<16xi32>, vector<16xi32>], vector<16xf32>,
          %swap3A_167 = arith.index_cast %rem3A_141 : i32 to index
          %swap3A_168 = arith.index_cast %while3A_136 : i32 to index
          %swap3A_169 = arith.constant 32 : index
          %swap3A_170 = tpu.vector_load %arg9[%swap3A_167, %swap3A_168, %swap3A_169] {strides = array<i32>} : memref<2x16x128xf32, #tpu.memory_space<vmem>>, vector<16xf32>,
          tpu.vector_store %arg9[%swap3A_167, %swap3A_168, %swap3A_169], %gather3A_166 {strides = array<i32>} : memref<2x16x128xf32, #tpu.memory_space<vmem>>, vector<16xf32>,
          %gather3A_171 = tpu.vector_load_idx %arg6[%broadcast_in_dim3A_101, %add3A_62, %broadcast_in_dim3A_155] : memref<3x64x512xf32, #tpu.memory_space<vmem>>[vector<16xi32>, vector<16xi32>, vector<16xi32>], vector<16xf32>,
          %swap3A_172 = arith.index_cast %rem3A_141 : i32 to index
          %swap3A_173 = arith.index_cast %while3A_136 : i32 to index
          %swap3A_174 = arith.constant 48 : index
          %swap3A_175 = tpu.vector_load %arg9[%swap3A_172, %swap3A_173, %swap3A_174] {strides = array<i32>} : memref<2x16x128xf32, #tpu.memory_space<vmem>>, vector<16xf32>,
          tpu.vector_store %arg9[%swap3A_172, %swap3A_173, %swap3A_174], %gather3A_171 {strides = array<i32>} : memref<2x16x128xf32, #tpu.memory_space<vmem>>, vector<16xf32>,
          %broadcast_in_dim3A_176 = vector.broadcast %while3A_136 : i32 to vector<16xi32>
          %broadcast_in_dim3A_177 = vector.broadcast %shift_right_arithmetic3A_154 : i32 to vector<16xi32>
          %eq3A_178 = arith.constant 0 : i32
          %eq3A_179 = vector.broadcast %eq3A_178 : i32 to vector<16xi32>
          %eq3A_180 = arith.cmpi eq, %iota3A, %eq3A_179 : vector<16xi32>
          %scatter3A = arith.constant 0 : i32
          %scatter3A_181 = tpu.memref_slice %arg10[%rem3A_141, %scatter3A] : memref<2x16xi32, #tpu.memory_space<vmem>> -> memref<1x16xi32, #tpu.memory_space<vmem>>
          %scatter3A_182 = tpu.memref_squeeze %scatter3A_181 : memref<1x16xi32, #tpu.memory_space<vmem>> -> memref<16xi32, #tpu.memory_space<vmem>>
          tpu.vector_store_idx %scatter3A_182[%broadcast_in_dim3A_176], %broadcast_in_dim3A_177 masked %eq3A_180 : memref<16xi32, #tpu.memory_space<vmem>>[vector<16xi32>], vector<16xi32>, vector<16xi1>
          %add3A_183 = arith.constant 1 : i32
          %add3A_184 = arith.addi %while3A_136, %add3A_183 : i32
          %eq3A_185 = arith.constant 16 : i32
          %eq3A_186 = arith.cmpi eq, %add3A_184, %eq3A_185 : i32
          %convert_element_type3A_187 = arith.extui %eq3A_186 : i1 to i32
          %cond3A_188 = arith.constant 0 : i32
          %cond3A_189 = arith.cmpi ne, %convert_element_type3A_187, %cond3A_188 : i32
          scf.if %cond3A_189 {
            %get3A_194 = arith.constant 0 : i32
            %get3A_195 = arith.index_cast %get3A_194 : i32 to index
            %get3A_196 = memref.load %arg13[%get3A_195] : memref<1xi32, #tpu.memory_space<smem>>
            %rem3A_197 = arith.constant 2 : i32
            %rem3A_198 = arith.remsi %get3A_196, %rem3A_197 : i32
            %dma_start3A = arith.constant 0 : i32
            %dma_start3A_199 = arith.constant 0 : i32
            %dma_start3A_200 = tpu.memref_slice %arg9[%rem3A_198, %dma_start3A, %dma_start3A_199] : memref<2x16x128xf32, #tpu.memory_space<vmem>> -> memref<1x16x128xf32, #tpu.memory_space<vmem>>
            %dma_start3A_201 = tpu.memref_squeeze %dma_start3A_200 : memref<1x16x128xf32, #tpu.memory_space<vmem>> -> memref<16x128xf32, #tpu.memory_space<vmem>>
            %dma_start3A_202 = arith.constant 0 : i32
            %dma_start3A_203 = tpu.memref_slice %arg10[%rem3A_198, %dma_start3A_202] : memref<2x16xi32, #tpu.memory_space<vmem>> -> memref<1x16xi32, #tpu.memory_space<vmem>>
            %dma_start3A_204 = tpu.memref_squeeze %dma_start3A_203 : memref<1x16xi32, #tpu.memory_space<vmem>> -> memref<16xi32, #tpu.memory_space<vmem>>
            %dma_start3A_205 = arith.constant 0 : i32
            %dma_start3A_206 = arith.constant 0 : i32
            %dma_start3A_207 = tpu.memref_slice %arg4[%dma_start3A_205, %dma_start3A_206] : memref<16512x128xf32, #tpu.memory_space<hbm>> -> memref<16512x128xf32, #tpu.memory_space<hbm>>
            %dma_start3A_208 = tpu.memref_slice %arg12[%rem3A_198] : memref<2x!tpu.dma_semaphore, #tpu.memory_space<semaphore_mem>> -> memref<1x!tpu.dma_semaphore, #tpu.memory_space<semaphore_mem>>
            %dma_start3A_209 = tpu.memref_squeeze %dma_start3A_208 : memref<1x!tpu.dma_semaphore, #tpu.memory_space<semaphore_mem>> -> memref<!tpu.dma_semaphore, #tpu.memory_space<semaphore_mem>>
            tpu.enqueue_indirect_dma source(%dma_start3A_201 : memref<16x128xf32, #tpu.memory_space<vmem>>) target(%dma_start3A_207 : memref<16512x128xf32, #tpu.memory_space<hbm>>) offsets(%dma_start3A_204 : memref<16xi32, #tpu.memory_space<vmem>>) semaphore(%dma_start3A_209 : memref<!tpu.dma_semaphore, #tpu.memory_space<semaphore_mem>>)
            %add3A_210 = arith.constant 1 : i32
            %add3A_211 = arith.addi %get3A_196, %add3A_210 : i32
            %swap3A_212 = arith.constant 0 : i32
            %swap3A_213 = arith.index_cast %swap3A_212 : i32 to index
            %swap3A_214 = memref.load %arg13[%swap3A_213] : memref<1xi32, #tpu.memory_space<smem>>
            memref.store %add3A_211, %arg13[%swap3A_213] : memref<1xi32, #tpu.memory_space<smem>>
          } else {
          }
          %add3A_190 = arith.constant 1 : i32
          %add3A_191 = arith.addi %while3A_135, %add3A_190 : i32
          %rem3A_192 = arith.constant 16 : i32
          %rem3A_193 = arith.remsi %add3A_184, %rem3A_192 : i32
          scf.yield %add3A_191, %rem3A_193 : i32, i32
        }
        scf.yield %while3A_134#1 : i32
      }
      %while3A_110 = arith.constant 1 : i32
      %while3A_111 = scf.for %while3A_119 = %while3A_107 to %while3A_103 step %while3A_110 iter_args(%while3A_120 = %while3A_109) -> (i32)  : i32 {
        %mul3A_121 = arith.constant 16 : i32
        %mul3A_122 = arith.muli %while3A_119, %mul3A_121 : i32
        %get3A_123 = arith.index_cast %mul3A_122 : i32 to index
        %get3A_124 = tpu.vector_load %arg7[%get3A_123] {strides = array<i32>} : memref<2048xi32, #tpu.memory_space<vmem>>, vector<16xi32>,
        %and3A = arith.constant 32767 : i32
        %and3A_125 = vector.broadcast %and3A : i32 to vector<16xi32>
        %and3A_126 = arith.andi %get3A_124, %and3A_125 : vector<16xi32>
        %shift_right_arithmetic3A_127 = arith.constant 9 : i32
        %shift_right_arithmetic3A_128 = vector.broadcast %shift_right_arithmetic3A_127 : i32 to vector<16xi32>
        %shift_right_arithmetic3A_129 = arith.shrsi %and3A_126, %shift_right_arithmetic3A_128 : vector<16xi32>
        %eq3A = vector.broadcast %scan3A_85 : i32 to vector<16xi32>
        %eq3A_130 = arith.cmpi eq, %shift_right_arithmetic3A_129, %eq3A : vector<16xi32>
        %all_reduce_population_count3A = tpu.all_reduce %eq3A_130 {dim = 0 : i64, kind = #tpu.reduction_kind<sum>} : vector<16xi1> -> vector<16xi32>
        %slice3A = vector.extract_strided_slice %all_reduce_population_count3A {offsets = [0], sizes = [1], strides = [1]} : vector<16xi32> to vector<1xi32>
        %squeeze3A = vector.extract %slice3A[0] : i32 from vector<1xi32>
        %swap3A_131 = arith.constant 0 : index
        %swap3A_132 = tpu.vector_load %arg8[%swap3A_131] masked %eq3A_130 {strides = array<i32>} : memref<16xi32, #tpu.memory_space<vmem>>, vector<16xi32>, vector<16xi1>
        tpu.vector_store %arg8[%swap3A_131], %get3A_124 masked %eq3A_130 {strides = array<i32>} : memref<16xi32, #tpu.memory_space<vmem>>, vector<16xi32>, vector<16xi1>
        %while3A_133 = arith.constant 0 : i32
        %while3A_134:2 = scf.while (%while3A_135 = %while3A_133, %while3A_136 = %while3A_120) : (i32, i32) -> (i32, i32) {
          %lt3A_137 = arith.cmpi slt, %while3A_135, %squeeze3A : i32
          scf.condition(%lt3A_137) %while3A_135, %while3A_136 : i32, i32
        } do {
        ^bb0(%while3A_135: i32, %while3A_136: i32):
          %get3A_137 = arith.constant 0 : i32
          %get3A_138 = arith.index_cast %get3A_137 : i32 to index
          %get3A_139 = memref.load %arg13[%get3A_138] : memref<1xi32, #tpu.memory_space<smem>>
          %rem3A_140 = arith.constant 2 : i32
          %rem3A_141 = arith.remsi %get3A_139, %rem3A_140 : i32
          %eq3A_142 = arith.constant 0 : i32
          %eq3A_143 = arith.cmpi eq, %while3A_136, %eq3A_142 : i32
          %convert_element_type3A_144 = arith.extui %eq3A_143 : i1 to i32
          %cond3A_145 = arith.constant 0 : i32
          %cond3A_146 = arith.cmpi ne, %convert_element_type3A_144, %cond3A_145 : i32
          scf.if %cond3A_146 {
            %ge3A_194 = arith.constant 2 : i32
            %ge3A_195 = arith.cmpi sge, %get3A_139, %ge3A_194 : i32
            %convert_element_type3A_196 = arith.extui %ge3A_195 : i1 to i32
            %cond3A_197 = arith.constant 0 : i32
            %cond3A_198 = arith.cmpi ne, %convert_element_type3A_196, %cond3A_197 : i32
            scf.if %cond3A_198 {
              %dma_wait3A = arith.constant 0 : i32
              %dma_wait3A_204 = arith.constant 0 : i32
              %dma_wait3A_205 = tpu.memref_slice %arg9[%rem3A_141, %dma_wait3A, %dma_wait3A_204] : memref<2x16x128xf32, #tpu.memory_space<vmem>> -> memref<1x16x128xf32, #tpu.memory_space<vmem>>
              %dma_wait3A_206 = tpu.memref_squeeze %dma_wait3A_205 : memref<1x16x128xf32, #tpu.memory_space<vmem>> -> memref<16x128xf32, #tpu.memory_space<vmem>>
              %dma_wait3A_207 = arith.constant 0 : i32
              %dma_wait3A_208 = tpu.memref_slice %arg10[%rem3A_141, %dma_wait3A_207] : memref<2x16xi32, #tpu.memory_space<vmem>> -> memref<1x16xi32, #tpu.memory_space<vmem>>
              %dma_wait3A_209 = tpu.memref_squeeze %dma_wait3A_208 : memref<1x16xi32, #tpu.memory_space<vmem>> -> memref<16xi32, #tpu.memory_space<vmem>>
              %dma_wait3A_210 = arith.constant 0 : i32
              %dma_wait3A_211 = arith.constant 0 : i32
              %dma_wait3A_212 = tpu.memref_slice %arg4[%dma_wait3A_210, %dma_wait3A_211] : memref<16512x128xf32, #tpu.memory_space<hbm>> -> memref<16512x128xf32, #tpu.memory_space<hbm>>
              %dma_wait3A_213 = tpu.memref_slice %arg12[%rem3A_141] : memref<2x!tpu.dma_semaphore, #tpu.memory_space<semaphore_mem>> -> memref<1x!tpu.dma_semaphore, #tpu.memory_space<semaphore_mem>>
              %dma_wait3A_214 = tpu.memref_squeeze %dma_wait3A_213 : memref<1x!tpu.dma_semaphore, #tpu.memory_space<semaphore_mem>> -> memref<!tpu.dma_semaphore, #tpu.memory_space<semaphore_mem>>
              tpu.wait_indirect_dma semaphore(%dma_wait3A_214 : memref<!tpu.dma_semaphore, #tpu.memory_space<semaphore_mem>>) src(%dma_wait3A_206 : memref<16x128xf32, #tpu.memory_space<vmem>>) dst(%dma_wait3A_212 : memref<16512x128xf32, #tpu.memory_space<hbm>>)
            } else {
            }
            %broadcast_in_dim3A_199 = arith.constant 16384 : i32
            %broadcast_in_dim3A_200 = vector.broadcast %broadcast_in_dim3A_199 : i32 to vector<16xi32>
            %swap3A_201 = arith.index_cast %rem3A_141 : i32 to index
            %swap3A_202 = arith.constant 0 : index
            %swap3A_203 = tpu.vector_load %arg10[%swap3A_201, %swap3A_202] {strides = array<i32>} : memref<2x16xi32, #tpu.memory_space<vmem>>, vector<16xi32>,
            tpu.vector_store %arg10[%swap3A_201, %swap3A_202], %broadcast_in_dim3A_200 {strides = array<i32>} : memref<2x16xi32, #tpu.memory_space<vmem>>, vector<16xi32>,
          } else {
          }
          %broadcast_in_dim3A_147 = vector.broadcast %while3A_135 : i32 to vector<16xi32>
          %gather3A = tpu.vector_load_idx %arg8[%broadcast_in_dim3A_147] : memref<16xi32, #tpu.memory_space<vmem>>[vector<16xi32>], vector<16xi32>,
          %slice3A_148 = vector.extract_strided_slice %gather3A {offsets = [0], sizes = [1], strides = [1]} : vector<16xi32> to vector<1xi32>
          %squeeze3A_149 = vector.extract %slice3A_148[0] : i32 from vector<1xi32>
          %and3A_150 = arith.constant 32767 : i32
          %and3A_151 = arith.andi %squeeze3A_149, %and3A_150 : i32
          %sub3A_152 = arith.subi %and3A_151, %sub3A : i32
          %shift_right_arithmetic3A_153 = arith.constant 15 : i32
          %shift_right_arithmetic3A_154 = arith.shrsi %squeeze3A_149, %shift_right_arithmetic3A_153 : i32
          %broadcast_in_dim3A_155 = vector.broadcast %sub3A_152 : i32 to vector<16xi32>
          %gather3A_156 = tpu.vector_load_idx %arg6[%broadcast_in_dim3A_101, %add3A_53, %broadcast_in_dim3A_155] : memref<3x64x512xf32, #tpu.memory_space<vmem>>[vector<16xi32>, vector<16xi32>, vector<16xi32>], vector<16xf32>,
          %swap3A_157 = arith.index_cast %rem3A_141 : i32 to index
          %swap3A_158 = arith.index_cast %while3A_136 : i32 to index
          %swap3A_159 = arith.constant 0 : index
          %swap3A_160 = tpu.vector_load %arg9[%swap3A_157, %swap3A_158, %swap3A_159] {strides = array<i32>} : memref<2x16x128xf32, #tpu.memory_space<vmem>>, vector<16xf32>,
          tpu.vector_store %arg9[%swap3A_157, %swap3A_158, %swap3A_159], %gather3A_156 {strides = array<i32>} : memref<2x16x128xf32, #tpu.memory_space<vmem>>, vector<16xf32>,
          %gather3A_161 = tpu.vector_load_idx %arg6[%broadcast_in_dim3A_101, %add3A_56, %broadcast_in_dim3A_155] : memref<3x64x512xf32, #tpu.memory_space<vmem>>[vector<16xi32>, vector<16xi32>, vector<16xi32>], vector<16xf32>,
          %swap3A_162 = arith.index_cast %rem3A_141 : i32 to index
          %swap3A_163 = arith.index_cast %while3A_136 : i32 to index
          %swap3A_164 = arith.constant 16 : index
          %swap3A_165 = tpu.vector_load %arg9[%swap3A_162, %swap3A_163, %swap3A_164] {strides = array<i32>} : memref<2x16x128xf32, #tpu.memory_space<vmem>>, vector<16xf32>,
          tpu.vector_store %arg9[%swap3A_162, %swap3A_163, %swap3A_164], %gather3A_161 {strides = array<i32>} : memref<2x16x128xf32, #tpu.memory_space<vmem>>, vector<16xf32>,
          %gather3A_166 = tpu.vector_load_idx %arg6[%broadcast_in_dim3A_101, %add3A_59, %broadcast_in_dim3A_155] : memref<3x64x512xf32, #tpu.memory_space<vmem>>[vector<16xi32>, vector<16xi32>, vector<16xi32>], vector<16xf32>,
          %swap3A_167 = arith.index_cast %rem3A_141 : i32 to index
          %swap3A_168 = arith.index_cast %while3A_136 : i32 to index
          %swap3A_169 = arith.constant 32 : index
          %swap3A_170 = tpu.vector_load %arg9[%swap3A_167, %swap3A_168, %swap3A_169] {strides = array<i32>} : memref<2x16x128xf32, #tpu.memory_space<vmem>>, vector<16xf32>,
          tpu.vector_store %arg9[%swap3A_167, %swap3A_168, %swap3A_169], %gather3A_166 {strides = array<i32>} : memref<2x16x128xf32, #tpu.memory_space<vmem>>, vector<16xf32>,
          %gather3A_171 = tpu.vector_load_idx %arg6[%broadcast_in_dim3A_101, %add3A_62, %broadcast_in_dim3A_155] : memref<3x64x512xf32, #tpu.memory_space<vmem>>[vector<16xi32>, vector<16xi32>, vector<16xi32>], vector<16xf32>,
          %swap3A_172 = arith.index_cast %rem3A_141 : i32 to index
          %swap3A_173 = arith.index_cast %while3A_136 : i32 to index
          %swap3A_174 = arith.constant 48 : index
          %swap3A_175 = tpu.vector_load %arg9[%swap3A_172, %swap3A_173, %swap3A_174] {strides = array<i32>} : memref<2x16x128xf32, #tpu.memory_space<vmem>>, vector<16xf32>,
          tpu.vector_store %arg9[%swap3A_172, %swap3A_173, %swap3A_174], %gather3A_171 {strides = array<i32>} : memref<2x16x128xf32, #tpu.memory_space<vmem>>, vector<16xf32>,
          %broadcast_in_dim3A_176 = vector.broadcast %while3A_136 : i32 to vector<16xi32>
          %broadcast_in_dim3A_177 = vector.broadcast %shift_right_arithmetic3A_154 : i32 to vector<16xi32>
          %eq3A_178 = arith.constant 0 : i32
          %eq3A_179 = vector.broadcast %eq3A_178 : i32 to vector<16xi32>
          %eq3A_180 = arith.cmpi eq, %iota3A, %eq3A_179 : vector<16xi32>
          %scatter3A = arith.constant 0 : i32
          %scatter3A_181 = tpu.memref_slice %arg10[%rem3A_141, %scatter3A] : memref<2x16xi32, #tpu.memory_space<vmem>> -> memref<1x16xi32, #tpu.memory_space<vmem>>
          %scatter3A_182 = tpu.memref_squeeze %scatter3A_181 : memref<1x16xi32, #tpu.memory_space<vmem>> -> memref<16xi32, #tpu.memory_space<vmem>>
          tpu.vector_store_idx %scatter3A_182[%broadcast_in_dim3A_176], %broadcast_in_dim3A_177 masked %eq3A_180 : memref<16xi32, #tpu.memory_space<vmem>>[vector<16xi32>], vector<16xi32>, vector<16xi1>
          %add3A_183 = arith.constant 1 : i32
          %add3A_184 = arith.addi %while3A_136, %add3A_183 : i32
          %eq3A_185 = arith.constant 16 : i32
          %eq3A_186 = arith.cmpi eq, %add3A_184, %eq3A_185 : i32
          %convert_element_type3A_187 = arith.extui %eq3A_186 : i1 to i32
          %cond3A_188 = arith.constant 0 : i32
          %cond3A_189 = arith.cmpi ne, %convert_element_type3A_187, %cond3A_188 : i32
          scf.if %cond3A_189 {
            %get3A_194 = arith.constant 0 : i32
            %get3A_195 = arith.index_cast %get3A_194 : i32 to index
            %get3A_196 = memref.load %arg13[%get3A_195] : memref<1xi32, #tpu.memory_space<smem>>
            %rem3A_197 = arith.constant 2 : i32
            %rem3A_198 = arith.remsi %get3A_196, %rem3A_197 : i32
            %dma_start3A = arith.constant 0 : i32
            %dma_start3A_199 = arith.constant 0 : i32
            %dma_start3A_200 = tpu.memref_slice %arg9[%rem3A_198, %dma_start3A, %dma_start3A_199] : memref<2x16x128xf32, #tpu.memory_space<vmem>> -> memref<1x16x128xf32, #tpu.memory_space<vmem>>
            %dma_start3A_201 = tpu.memref_squeeze %dma_start3A_200 : memref<1x16x128xf32, #tpu.memory_space<vmem>> -> memref<16x128xf32, #tpu.memory_space<vmem>>
            %dma_start3A_202 = arith.constant 0 : i32
            %dma_start3A_203 = tpu.memref_slice %arg10[%rem3A_198, %dma_start3A_202] : memref<2x16xi32, #tpu.memory_space<vmem>> -> memref<1x16xi32, #tpu.memory_space<vmem>>
            %dma_start3A_204 = tpu.memref_squeeze %dma_start3A_203 : memref<1x16xi32, #tpu.memory_space<vmem>> -> memref<16xi32, #tpu.memory_space<vmem>>
            %dma_start3A_205 = arith.constant 0 : i32
            %dma_start3A_206 = arith.constant 0 : i32
            %dma_start3A_207 = tpu.memref_slice %arg4[%dma_start3A_205, %dma_start3A_206] : memref<16512x128xf32, #tpu.memory_space<hbm>> -> memref<16512x128xf32, #tpu.memory_space<hbm>>
            %dma_start3A_208 = tpu.memref_slice %arg12[%rem3A_198] : memref<2x!tpu.dma_semaphore, #tpu.memory_space<semaphore_mem>> -> memref<1x!tpu.dma_semaphore, #tpu.memory_space<semaphore_mem>>
            %dma_start3A_209 = tpu.memref_squeeze %dma_start3A_208 : memref<1x!tpu.dma_semaphore, #tpu.memory_space<semaphore_mem>> -> memref<!tpu.dma_semaphore, #tpu.memory_space<semaphore_mem>>
            tpu.enqueue_indirect_dma source(%dma_start3A_201 : memref<16x128xf32, #tpu.memory_space<vmem>>) target(%dma_start3A_207 : memref<16512x128xf32, #tpu.memory_space<hbm>>) offsets(%dma_start3A_204 : memref<16xi32, #tpu.memory_space<vmem>>) semaphore(%dma_start3A_209 : memref<!tpu.dma_semaphore, #tpu.memory_space<semaphore_mem>>)
            %add3A_210 = arith.constant 1 : i32
            %add3A_211 = arith.addi %get3A_196, %add3A_210 : i32
            %swap3A_212 = arith.constant 0 : i32
            %swap3A_213 = arith.index_cast %swap3A_212 : i32 to index
            %swap3A_214 = memref.load %arg13[%swap3A_213] : memref<1xi32, #tpu.memory_space<smem>>
            memref.store %add3A_211, %arg13[%swap3A_213] : memref<1xi32, #tpu.memory_space<smem>>
          } else {
          }
          %add3A_190 = arith.constant 1 : i32
          %add3A_191 = arith.addi %while3A_135, %add3A_190 : i32
          %rem3A_192 = arith.constant 16 : i32
          %rem3A_193 = arith.remsi %add3A_184, %rem3A_192 : i32
          scf.yield %add3A_191, %rem3A_193 : i32, i32
        }
        scf.yield %while3A_134#1 : i32
      }
      %add3A_112 = arith.constant 3 : i32
      %add3A_113 = arith.addi %scan3A_85, %add3A_112 : i32
      %lt3A_114 = arith.constant 62 : i32
      %lt3A_115 = arith.cmpi slt, %add3A_113, %lt3A_114 : i32
      %convert_element_type3A_116 = arith.extui %lt3A_115 : i1 to i32
      %cond3A_117 = arith.constant 0 : i32
      %cond3A_118 = arith.cmpi ne, %convert_element_type3A_116, %cond3A_117 : i32
      scf.if %cond3A_118 {
        %add3A_119 = arith.constant 3 : i32
        %add3A_120 = arith.addi %scan3A_85, %add3A_119 : i32
        %mul3A_121 = arith.constant 512 : i32
        %mul3A_122 = arith.muli %add3A_120, %mul3A_121 : i32
        %add3A_123 = arith.addi %mul3A_2, %mul3A_122 : i32
        %lt3A_124 = arith.constant 1000000 : i32
        %lt3A_125 = arith.cmpi slt, %add3A_123, %lt3A_124 : i32
        %convert_element_type3A_126 = arith.extui %lt3A_125 : i1 to i32
        %cond3A_127 = arith.constant 0 : i32
        %cond3A_128 = arith.cmpi ne, %convert_element_type3A_126, %cond3A_127 : i32
        scf.if %cond3A_128 {
          %min3A_129 = arith.constant 999552 : i32
          %min3A_130 = arith.minsi %add3A_123, %min3A_129 : i32
          %multiple_of3A = tpu.assume_multiple %min3A_130, 128 : i32
          %dma_start3A = arith.constant 0 : i32
          %dma_start3A_131 = arith.constant 0 : i32
          %dma_start3A_132 = tpu.memref_slice %arg6[%rem3A_87, %dma_start3A, %dma_start3A_131] : memref<3x64x512xf32, #tpu.memory_space<vmem>> -> memref<1x8x512xf32, #tpu.memory_space<vmem>>
          %dma_start3A_133 = tpu.memref_squeeze %dma_start3A_132 : memref<1x8x512xf32, #tpu.memory_space<vmem>> -> memref<8x512xf32, #tpu.memory_space<vmem>>
          %dma_start3A_134 = arith.constant 0 : i32
          %dma_start3A_135 = tpu.memref_slice %arg3[%dma_start3A_134, %multiple_of3A] : memref<64x1000000xf32, #tpu.memory_space<hbm>> -> memref<8x512xf32, #tpu.memory_space<hbm>>
          %dma_start3A_136 = tpu.memref_slice %arg11[%rem3A_87] : memref<3x!tpu.dma_semaphore, #tpu.memory_space<semaphore_mem>> -> memref<1x!tpu.dma_semaphore, #tpu.memory_space<semaphore_mem>>
          %dma_start3A_137 = tpu.memref_squeeze %dma_start3A_136 : memref<1x!tpu.dma_semaphore, #tpu.memory_space<semaphore_mem>> -> memref<!tpu.dma_semaphore, #tpu.memory_space<semaphore_mem>>
          %dma_start3A_138 = arith.constant 0 : i32
          %dma_start3A_139 = arith.constant 0 : i32
          %dma_start3A_140 = tpu.memref_slice %arg6[%rem3A_87, %dma_start3A_138, %dma_start3A_139] : memref<3x64x512xf32, #tpu.memory_space<vmem>> -> memref<1x8x512xf32, #tpu.memory_space<vmem>>
          %dma_start3A_141 = tpu.memref_squeeze %dma_start3A_140 : memref<1x8x512xf32, #tpu.memory_space<vmem>> -> memref<8x512xf32, #tpu.memory_space<vmem>>
          %dma_start3A_142 = arith.constant 0 : i32
          %dma_start3A_143 = tpu.memref_slice %arg3[%dma_start3A_142, %multiple_of3A] : memref<64x1000000xf32, #tpu.memory_space<hbm>> -> memref<8x512xf32, #tpu.memory_space<hbm>>
          tpu.enqueue_dma source(%dma_start3A_143 : memref<8x512xf32, #tpu.memory_space<hbm>>) target(%dma_start3A_141 : memref<8x512xf32, #tpu.memory_space<vmem>>) target_semaphore(%dma_start3A_137 : memref<!tpu.dma_semaphore, #tpu.memory_space<semaphore_mem>>)
          %dma_start3A_144 = arith.constant 8 : i32
          %dma_start3A_145 = arith.constant 0 : i32
          %dma_start3A_146 = tpu.memref_slice %arg6[%rem3A_87, %dma_start3A_144, %dma_start3A_145] : memref<3x64x512xf32, #tpu.memory_space<vmem>> -> memref<1x8x512xf32, #tpu.memory_space<vmem>>
          %dma_start3A_147 = tpu.memref_squeeze %dma_start3A_146 : memref<1x8x512xf32, #tpu.memory_space<vmem>> -> memref<8x512xf32, #tpu.memory_space<vmem>>
          %dma_start3A_148 = arith.constant 8 : i32
          %dma_start3A_149 = tpu.memref_slice %arg3[%dma_start3A_148, %multiple_of3A] : memref<64x1000000xf32, #tpu.memory_space<hbm>> -> memref<8x512xf32, #tpu.memory_space<hbm>>
          %dma_start3A_150 = tpu.memref_slice %arg11[%rem3A_87] : memref<3x!tpu.dma_semaphore, #tpu.memory_space<semaphore_mem>> -> memref<1x!tpu.dma_semaphore, #tpu.memory_space<semaphore_mem>>
          %dma_start3A_151 = tpu.memref_squeeze %dma_start3A_150 : memref<1x!tpu.dma_semaphore, #tpu.memory_space<semaphore_mem>> -> memref<!tpu.dma_semaphore, #tpu.memory_space<semaphore_mem>>
          %dma_start3A_152 = arith.constant 8 : i32
          %dma_start3A_153 = arith.constant 0 : i32
          %dma_start3A_154 = tpu.memref_slice %arg6[%rem3A_87, %dma_start3A_152, %dma_start3A_153] : memref<3x64x512xf32, #tpu.memory_space<vmem>> -> memref<1x8x512xf32, #tpu.memory_space<vmem>>
          %dma_start3A_155 = tpu.memref_squeeze %dma_start3A_154 : memref<1x8x512xf32, #tpu.memory_space<vmem>> -> memref<8x512xf32, #tpu.memory_space<vmem>>
          %dma_start3A_156 = arith.constant 8 : i32
          %dma_start3A_157 = tpu.memref_slice %arg3[%dma_start3A_156, %multiple_of3A] : memref<64x1000000xf32, #tpu.memory_space<hbm>> -> memref<8x512xf32, #tpu.memory_space<hbm>>
          tpu.enqueue_dma source(%dma_start3A_157 : memref<8x512xf32, #tpu.memory_space<hbm>>) target(%dma_start3A_155 : memref<8x512xf32, #tpu.memory_space<vmem>>) target_semaphore(%dma_start3A_151 : memref<!tpu.dma_semaphore, #tpu.memory_space<semaphore_mem>>)
          %dma_start3A_158 = arith.constant 16 : i32
          %dma_start3A_159 = arith.constant 0 : i32
          %dma_start3A_160 = tpu.memref_slice %arg6[%rem3A_87, %dma_start3A_158, %dma_start3A_159] : memref<3x64x512xf32, #tpu.memory_space<vmem>> -> memref<1x8x512xf32, #tpu.memory_space<vmem>>
          %dma_start3A_161 = tpu.memref_squeeze %dma_start3A_160 : memref<1x8x512xf32, #tpu.memory_space<vmem>> -> memref<8x512xf32, #tpu.memory_space<vmem>>
          %dma_start3A_162 = arith.constant 16 : i32
          %dma_start3A_163 = tpu.memref_slice %arg3[%dma_start3A_162, %multiple_of3A] : memref<64x1000000xf32, #tpu.memory_space<hbm>> -> memref<8x512xf32, #tpu.memory_space<hbm>>
          %dma_start3A_164 = tpu.memref_slice %arg11[%rem3A_87] : memref<3x!tpu.dma_semaphore, #tpu.memory_space<semaphore_mem>> -> memref<1x!tpu.dma_semaphore, #tpu.memory_space<semaphore_mem>>
          %dma_start3A_165 = tpu.memref_squeeze %dma_start3A_164 : memref<1x!tpu.dma_semaphore, #tpu.memory_space<semaphore_mem>> -> memref<!tpu.dma_semaphore, #tpu.memory_space<semaphore_mem>>
          %dma_start3A_166 = arith.constant 16 : i32
          %dma_start3A_167 = arith.constant 0 : i32
          %dma_start3A_168 = tpu.memref_slice %arg6[%rem3A_87, %dma_start3A_166, %dma_start3A_167] : memref<3x64x512xf32, #tpu.memory_space<vmem>> -> memref<1x8x512xf32, #tpu.memory_space<vmem>>
          %dma_start3A_169 = tpu.memref_squeeze %dma_start3A_168 : memref<1x8x512xf32, #tpu.memory_space<vmem>> -> memref<8x512xf32, #tpu.memory_space<vmem>>
          %dma_start3A_170 = arith.constant 16 : i32
          %dma_start3A_171 = tpu.memref_slice %arg3[%dma_start3A_170, %multiple_of3A] : memref<64x1000000xf32, #tpu.memory_space<hbm>> -> memref<8x512xf32, #tpu.memory_space<hbm>>
          tpu.enqueue_dma source(%dma_start3A_171 : memref<8x512xf32, #tpu.memory_space<hbm>>) target(%dma_start3A_169 : memref<8x512xf32, #tpu.memory_space<vmem>>) target_semaphore(%dma_start3A_165 : memref<!tpu.dma_semaphore, #tpu.memory_space<semaphore_mem>>)
          %dma_start3A_172 = arith.constant 24 : i32
          %dma_start3A_173 = arith.constant 0 : i32
          %dma_start3A_174 = tpu.memref_slice %arg6[%rem3A_87, %dma_start3A_172, %dma_start3A_173] : memref<3x64x512xf32, #tpu.memory_space<vmem>> -> memref<1x8x512xf32, #tpu.memory_space<vmem>>
          %dma_start3A_175 = tpu.memref_squeeze %dma_start3A_174 : memref<1x8x512xf32, #tpu.memory_space<vmem>> -> memref<8x512xf32, #tpu.memory_space<vmem>>
          %dma_start3A_176 = arith.constant 24 : i32
          %dma_start3A_177 = tpu.memref_slice %arg3[%dma_start3A_176, %multiple_of3A] : memref<64x1000000xf32, #tpu.memory_space<hbm>> -> memref<8x512xf32, #tpu.memory_space<hbm>>
          %dma_start3A_178 = tpu.memref_slice %arg11[%rem3A_87] : memref<3x!tpu.dma_semaphore, #tpu.memory_space<semaphore_mem>> -> memref<1x!tpu.dma_semaphore, #tpu.memory_space<semaphore_mem>>
          %dma_start3A_179 = tpu.memref_squeeze %dma_start3A_178 : memref<1x!tpu.dma_semaphore, #tpu.memory_space<semaphore_mem>> -> memref<!tpu.dma_semaphore, #tpu.memory_space<semaphore_mem>>
          %dma_start3A_180 = arith.constant 24 : i32
          %dma_start3A_181 = arith.constant 0 : i32
          %dma_start3A_182 = tpu.memref_slice %arg6[%rem3A_87, %dma_start3A_180, %dma_start3A_181] : memref<3x64x512xf32, #tpu.memory_space<vmem>> -> memref<1x8x512xf32, #tpu.memory_space<vmem>>
          %dma_start3A_183 = tpu.memref_squeeze %dma_start3A_182 : memref<1x8x512xf32, #tpu.memory_space<vmem>> -> memref<8x512xf32, #tpu.memory_space<vmem>>
          %dma_start3A_184 = arith.constant 24 : i32
          %dma_start3A_185 = tpu.memref_slice %arg3[%dma_start3A_184, %multiple_of3A] : memref<64x1000000xf32, #tpu.memory_space<hbm>> -> memref<8x512xf32, #tpu.memory_space<hbm>>
          tpu.enqueue_dma source(%dma_start3A_185 : memref<8x512xf32, #tpu.memory_space<hbm>>) target(%dma_start3A_183 : memref<8x512xf32, #tpu.memory_space<vmem>>) target_semaphore(%dma_start3A_179 : memref<!tpu.dma_semaphore, #tpu.memory_space<semaphore_mem>>)
          %dma_start3A_186 = arith.constant 32 : i32
          %dma_start3A_187 = arith.constant 0 : i32
          %dma_start3A_188 = tpu.memref_slice %arg6[%rem3A_87, %dma_start3A_186, %dma_start3A_187] : memref<3x64x512xf32, #tpu.memory_space<vmem>> -> memref<1x8x512xf32, #tpu.memory_space<vmem>>
          %dma_start3A_189 = tpu.memref_squeeze %dma_start3A_188 : memref<1x8x512xf32, #tpu.memory_space<vmem>> -> memref<8x512xf32, #tpu.memory_space<vmem>>
          %dma_start3A_190 = arith.constant 32 : i32
          %dma_start3A_191 = tpu.memref_slice %arg3[%dma_start3A_190, %multiple_of3A] : memref<64x1000000xf32, #tpu.memory_space<hbm>> -> memref<8x512xf32, #tpu.memory_space<hbm>>
          %dma_start3A_192 = tpu.memref_slice %arg11[%rem3A_87] : memref<3x!tpu.dma_semaphore, #tpu.memory_space<semaphore_mem>> -> memref<1x!tpu.dma_semaphore, #tpu.memory_space<semaphore_mem>>
          %dma_start3A_193 = tpu.memref_squeeze %dma_start3A_192 : memref<1x!tpu.dma_semaphore, #tpu.memory_space<semaphore_mem>> -> memref<!tpu.dma_semaphore, #tpu.memory_space<semaphore_mem>>
          %dma_start3A_194 = arith.constant 32 : i32
          %dma_start3A_195 = arith.constant 0 : i32
          %dma_start3A_196 = tpu.memref_slice %arg6[%rem3A_87, %dma_start3A_194, %dma_start3A_195] : memref<3x64x512xf32, #tpu.memory_space<vmem>> -> memref<1x8x512xf32, #tpu.memory_space<vmem>>
          %dma_start3A_197 = tpu.memref_squeeze %dma_start3A_196 : memref<1x8x512xf32, #tpu.memory_space<vmem>> -> memref<8x512xf32, #tpu.memory_space<vmem>>
          %dma_start3A_198 = arith.constant 32 : i32
          %dma_start3A_199 = tpu.memref_slice %arg3[%dma_start3A_198, %multiple_of3A] : memref<64x1000000xf32, #tpu.memory_space<hbm>> -> memref<8x512xf32, #tpu.memory_space<hbm>>
          tpu.enqueue_dma source(%dma_start3A_199 : memref<8x512xf32, #tpu.memory_space<hbm>>) target(%dma_start3A_197 : memref<8x512xf32, #tpu.memory_space<vmem>>) target_semaphore(%dma_start3A_193 : memref<!tpu.dma_semaphore, #tpu.memory_space<semaphore_mem>>)
          %dma_start3A_200 = arith.constant 40 : i32
          %dma_start3A_201 = arith.constant 0 : i32
          %dma_start3A_202 = tpu.memref_slice %arg6[%rem3A_87, %dma_start3A_200, %dma_start3A_201] : memref<3x64x512xf32, #tpu.memory_space<vmem>> -> memref<1x8x512xf32, #tpu.memory_space<vmem>>
          %dma_start3A_203 = tpu.memref_squeeze %dma_start3A_202 : memref<1x8x512xf32, #tpu.memory_space<vmem>> -> memref<8x512xf32, #tpu.memory_space<vmem>>
          %dma_start3A_204 = arith.constant 40 : i32
          %dma_start3A_205 = tpu.memref_slice %arg3[%dma_start3A_204, %multiple_of3A] : memref<64x1000000xf32, #tpu.memory_space<hbm>> -> memref<8x512xf32, #tpu.memory_space<hbm>>
          %dma_start3A_206 = tpu.memref_slice %arg11[%rem3A_87] : memref<3x!tpu.dma_semaphore, #tpu.memory_space<semaphore_mem>> -> memref<1x!tpu.dma_semaphore, #tpu.memory_space<semaphore_mem>>
          %dma_start3A_207 = tpu.memref_squeeze %dma_start3A_206 : memref<1x!tpu.dma_semaphore, #tpu.memory_space<semaphore_mem>> -> memref<!tpu.dma_semaphore, #tpu.memory_space<semaphore_mem>>
          %dma_start3A_208 = arith.constant 40 : i32
          %dma_start3A_209 = arith.constant 0 : i32
          %dma_start3A_210 = tpu.memref_slice %arg6[%rem3A_87, %dma_start3A_208, %dma_start3A_209] : memref<3x64x512xf32, #tpu.memory_space<vmem>> -> memref<1x8x512xf32, #tpu.memory_space<vmem>>
          %dma_start3A_211 = tpu.memref_squeeze %dma_start3A_210 : memref<1x8x512xf32, #tpu.memory_space<vmem>> -> memref<8x512xf32, #tpu.memory_space<vmem>>
          %dma_start3A_212 = arith.constant 40 : i32
          %dma_start3A_213 = tpu.memref_slice %arg3[%dma_start3A_212, %multiple_of3A] : memref<64x1000000xf32, #tpu.memory_space<hbm>> -> memref<8x512xf32, #tpu.memory_space<hbm>>
          tpu.enqueue_dma source(%dma_start3A_213 : memref<8x512xf32, #tpu.memory_space<hbm>>) target(%dma_start3A_211 : memref<8x512xf32, #tpu.memory_space<vmem>>) target_semaphore(%dma_start3A_207 : memref<!tpu.dma_semaphore, #tpu.memory_space<semaphore_mem>>)
          %dma_start3A_214 = arith.constant 48 : i32
          %dma_start3A_215 = arith.constant 0 : i32
          %dma_start3A_216 = tpu.memref_slice %arg6[%rem3A_87, %dma_start3A_214, %dma_start3A_215] : memref<3x64x512xf32, #tpu.memory_space<vmem>> -> memref<1x8x512xf32, #tpu.memory_space<vmem>>
          %dma_start3A_217 = tpu.memref_squeeze %dma_start3A_216 : memref<1x8x512xf32, #tpu.memory_space<vmem>> -> memref<8x512xf32, #tpu.memory_space<vmem>>
          %dma_start3A_218 = arith.constant 48 : i32
          %dma_start3A_219 = tpu.memref_slice %arg3[%dma_start3A_218, %multiple_of3A] : memref<64x1000000xf32, #tpu.memory_space<hbm>> -> memref<8x512xf32, #tpu.memory_space<hbm>>
          %dma_start3A_220 = tpu.memref_slice %arg11[%rem3A_87] : memref<3x!tpu.dma_semaphore, #tpu.memory_space<semaphore_mem>> -> memref<1x!tpu.dma_semaphore, #tpu.memory_space<semaphore_mem>>
          %dma_start3A_221 = tpu.memref_squeeze %dma_start3A_220 : memref<1x!tpu.dma_semaphore, #tpu.memory_space<semaphore_mem>> -> memref<!tpu.dma_semaphore, #tpu.memory_space<semaphore_mem>>
          %dma_start3A_222 = arith.constant 48 : i32
          %dma_start3A_223 = arith.constant 0 : i32
          %dma_start3A_224 = tpu.memref_slice %arg6[%rem3A_87, %dma_start3A_222, %dma_start3A_223] : memref<3x64x512xf32, #tpu.memory_space<vmem>> -> memref<1x8x512xf32, #tpu.memory_space<vmem>>
          %dma_start3A_225 = tpu.memref_squeeze %dma_start3A_224 : memref<1x8x512xf32, #tpu.memory_space<vmem>> -> memref<8x512xf32, #tpu.memory_space<vmem>>
          %dma_start3A_226 = arith.constant 48 : i32
          %dma_start3A_227 = tpu.memref_slice %arg3[%dma_start3A_226, %multiple_of3A] : memref<64x1000000xf32, #tpu.memory_space<hbm>> -> memref<8x512xf32, #tpu.memory_space<hbm>>
          tpu.enqueue_dma source(%dma_start3A_227 : memref<8x512xf32, #tpu.memory_space<hbm>>) target(%dma_start3A_225 : memref<8x512xf32, #tpu.memory_space<vmem>>) target_semaphore(%dma_start3A_221 : memref<!tpu.dma_semaphore, #tpu.memory_space<semaphore_mem>>)
          %dma_start3A_228 = arith.constant 56 : i32
          %dma_start3A_229 = arith.constant 0 : i32
          %dma_start3A_230 = tpu.memref_slice %arg6[%rem3A_87, %dma_start3A_228, %dma_start3A_229] : memref<3x64x512xf32, #tpu.memory_space<vmem>> -> memref<1x8x512xf32, #tpu.memory_space<vmem>>
          %dma_start3A_231 = tpu.memref_squeeze %dma_start3A_230 : memref<1x8x512xf32, #tpu.memory_space<vmem>> -> memref<8x512xf32, #tpu.memory_space<vmem>>
          %dma_start3A_232 = arith.constant 56 : i32
          %dma_start3A_233 = tpu.memref_slice %arg3[%dma_start3A_232, %multiple_of3A] : memref<64x1000000xf32, #tpu.memory_space<hbm>> -> memref<8x512xf32, #tpu.memory_space<hbm>>
          %dma_start3A_234 = tpu.memref_slice %arg11[%rem3A_87] : memref<3x!tpu.dma_semaphore, #tpu.memory_space<semaphore_mem>> -> memref<1x!tpu.dma_semaphore, #tpu.memory_space<semaphore_mem>>
          %dma_start3A_235 = tpu.memref_squeeze %dma_start3A_234 : memref<1x!tpu.dma_semaphore, #tpu.memory_space<semaphore_mem>> -> memref<!tpu.dma_semaphore, #tpu.memory_space<semaphore_mem>>
          %dma_start3A_236 = arith.constant 56 : i32
          %dma_start3A_237 = arith.constant 0 : i32
          %dma_start3A_238 = tpu.memref_slice %arg6[%rem3A_87, %dma_start3A_236, %dma_start3A_237] : memref<3x64x512xf32, #tpu.memory_space<vmem>> -> memref<1x8x512xf32, #tpu.memory_space<vmem>>
          %dma_start3A_239 = tpu.memref_squeeze %dma_start3A_238 : memref<1x8x512xf32, #tpu.memory_space<vmem>> -> memref<8x512xf32, #tpu.memory_space<vmem>>
          %dma_start3A_240 = arith.constant 56 : i32
          %dma_start3A_241 = tpu.memref_slice %arg3[%dma_start3A_240, %multiple_of3A] : memref<64x1000000xf32, #tpu.memory_space<hbm>> -> memref<8x512xf32, #tpu.memory_space<hbm>>
          tpu.enqueue_dma source(%dma_start3A_241 : memref<8x512xf32, #tpu.memory_space<hbm>>) target(%dma_start3A_239 : memref<8x512xf32, #tpu.memory_space<vmem>>) target_semaphore(%dma_start3A_235 : memref<!tpu.dma_semaphore, #tpu.memory_space<semaphore_mem>>)
        } else {
        }
      } else {
      }
      scf.yield %while3A_111 : i32
    }
    %scan3A_69 = arith.constant 62 : i32
    %gt3A = arith.constant 0 : i32
    %gt3A_70 = arith.cmpi sgt, %scan3A_68, %gt3A : i32
    %convert_element_type3A_71 = arith.extui %gt3A_70 : i1 to i32
    %cond3A_72 = arith.constant 0 : i32
    %cond3A_73 = arith.cmpi ne, %convert_element_type3A_71, %cond3A_72 : i32
    scf.if %cond3A_73 {
      %get3A_85 = arith.constant 0 : i32
      %get3A_86 = arith.index_cast %get3A_85 : i32 to index
      %get3A_87 = memref.load %arg13[%get3A_86] : memref<1xi32, #tpu.memory_space<smem>>
      %rem3A = arith.constant 2 : i32
      %rem3A_88 = arith.remsi %get3A_87, %rem3A : i32
      %dma_start3A = arith.constant 0 : i32
      %dma_start3A_89 = arith.constant 0 : i32
      %dma_start3A_90 = tpu.memref_slice %arg9[%rem3A_88, %dma_start3A, %dma_start3A_89] : memref<2x16x128xf32, #tpu.memory_space<vmem>> -> memref<1x16x128xf32, #tpu.memory_space<vmem>>
      %dma_start3A_91 = tpu.memref_squeeze %dma_start3A_90 : memref<1x16x128xf32, #tpu.memory_space<vmem>> -> memref<16x128xf32, #tpu.memory_space<vmem>>
      %dma_start3A_92 = arith.constant 0 : i32
      %dma_start3A_93 = tpu.memref_slice %arg10[%rem3A_88, %dma_start3A_92] : memref<2x16xi32, #tpu.memory_space<vmem>> -> memref<1x16xi32, #tpu.memory_space<vmem>>
      %dma_start3A_94 = tpu.memref_squeeze %dma_start3A_93 : memref<1x16xi32, #tpu.memory_space<vmem>> -> memref<16xi32, #tpu.memory_space<vmem>>
      %dma_start3A_95 = arith.constant 0 : i32
      %dma_start3A_96 = arith.constant 0 : i32
      %dma_start3A_97 = tpu.memref_slice %arg4[%dma_start3A_95, %dma_start3A_96] : memref<16512x128xf32, #tpu.memory_space<hbm>> -> memref<16512x128xf32, #tpu.memory_space<hbm>>
      %dma_start3A_98 = tpu.memref_slice %arg12[%rem3A_88] : memref<2x!tpu.dma_semaphore, #tpu.memory_space<semaphore_mem>> -> memref<1x!tpu.dma_semaphore, #tpu.memory_space<semaphore_mem>>
      %dma_start3A_99 = tpu.memref_squeeze %dma_start3A_98 : memref<1x!tpu.dma_semaphore, #tpu.memory_space<semaphore_mem>> -> memref<!tpu.dma_semaphore, #tpu.memory_space<semaphore_mem>>
      tpu.enqueue_indirect_dma source(%dma_start3A_91 : memref<16x128xf32, #tpu.memory_space<vmem>>) target(%dma_start3A_97 : memref<16512x128xf32, #tpu.memory_space<hbm>>) offsets(%dma_start3A_94 : memref<16xi32, #tpu.memory_space<vmem>>) semaphore(%dma_start3A_99 : memref<!tpu.dma_semaphore, #tpu.memory_space<semaphore_mem>>)
      %add3A_100 = arith.constant 1 : i32
      %add3A_101 = arith.addi %get3A_87, %add3A_100 : i32
      %swap3A_102 = arith.constant 0 : i32
      %swap3A_103 = arith.index_cast %swap3A_102 : i32 to index
      %swap3A_104 = memref.load %arg13[%swap3A_103] : memref<1xi32, #tpu.memory_space<smem>>
      memref.store %add3A_101, %arg13[%swap3A_103] : memref<1xi32, #tpu.memory_space<smem>>
    } else {
    }
    %get3A = arith.constant 0 : i32
    %get3A_74 = arith.index_cast %get3A : i32 to index
    %get3A_75 = memref.load %arg13[%get3A_74] : memref<1xi32, #tpu.memory_space<smem>>
    %ge3A = arith.constant 1 : i32
    %ge3A_76 = arith.cmpi sge, %get3A_75, %ge3A : i32
    %convert_element_type3A_77 = arith.extui %ge3A_76 : i1 to i32
    %cond3A_78 = arith.constant 0 : i32
    %cond3A_79 = arith.cmpi ne, %convert_element_type3A_77, %cond3A_78 : i32
    scf.if %cond3A_79 {
      %sub3A = arith.constant 1 : i32
      %sub3A_85 = arith.subi %get3A_75, %sub3A : i32
      %rem3A = arith.constant 2 : i32
      %rem3A_86 = arith.remsi %sub3A_85, %rem3A : i32
      %dma_wait3A = arith.constant 0 : i32
      %dma_wait3A_87 = arith.constant 0 : i32
      %dma_wait3A_88 = tpu.memref_slice %arg9[%rem3A_86, %dma_wait3A, %dma_wait3A_87] : memref<2x16x128xf32, #tpu.memory_space<vmem>> -> memref<1x16x128xf32, #tpu.memory_space<vmem>>
      %dma_wait3A_89 = tpu.memref_squeeze %dma_wait3A_88 : memref<1x16x128xf32, #tpu.memory_space<vmem>> -> memref<16x128xf32, #tpu.memory_space<vmem>>
      %dma_wait3A_90 = arith.constant 0 : i32
      %dma_wait3A_91 = tpu.memref_slice %arg10[%rem3A_86, %dma_wait3A_90] : memref<2x16xi32, #tpu.memory_space<vmem>> -> memref<1x16xi32, #tpu.memory_space<vmem>>
      %dma_wait3A_92 = tpu.memref_squeeze %dma_wait3A_91 : memref<1x16xi32, #tpu.memory_space<vmem>> -> memref<16xi32, #tpu.memory_space<vmem>>
      %dma_wait3A_93 = arith.constant 0 : i32
      %dma_wait3A_94 = arith.constant 0 : i32
      %dma_wait3A_95 = tpu.memref_slice %arg4[%dma_wait3A_93, %dma_wait3A_94] : memref<16512x128xf32, #tpu.memory_space<hbm>> -> memref<16512x128xf32, #tpu.memory_space<hbm>>
      %dma_wait3A_96 = tpu.memref_slice %arg12[%rem3A_86] : memref<2x!tpu.dma_semaphore, #tpu.memory_space<semaphore_mem>> -> memref<1x!tpu.dma_semaphore, #tpu.memory_space<semaphore_mem>>
      %dma_wait3A_97 = tpu.memref_squeeze %dma_wait3A_96 : memref<1x!tpu.dma_semaphore, #tpu.memory_space<semaphore_mem>> -> memref<!tpu.dma_semaphore, #tpu.memory_space<semaphore_mem>>
      tpu.wait_indirect_dma semaphore(%dma_wait3A_97 : memref<!tpu.dma_semaphore, #tpu.memory_space<semaphore_mem>>) src(%dma_wait3A_89 : memref<16x128xf32, #tpu.memory_space<vmem>>) dst(%dma_wait3A_95 : memref<16512x128xf32, #tpu.memory_space<hbm>>)
    } else {
    }
    %ge3A_80 = arith.constant 2 : i32
    %ge3A_81 = arith.cmpi sge, %get3A_75, %ge3A_80 : i32
    %convert_element_type3A_82 = arith.extui %ge3A_81 : i1 to i32
    %cond3A_83 = arith.constant 0 : i32
    %cond3A_84 = arith.cmpi ne, %convert_element_type3A_82, %cond3A_83 : i32
    scf.if %cond3A_84 {
      %sub3A = arith.constant 2 : i32
      %sub3A_85 = arith.subi %get3A_75, %sub3A : i32
      %rem3A = arith.constant 2 : i32
      %rem3A_86 = arith.remsi %sub3A_85, %rem3A : i32
      %dma_wait3A = arith.constant 0 : i32
      %dma_wait3A_87 = arith.constant 0 : i32
      %dma_wait3A_88 = tpu.memref_slice %arg9[%rem3A_86, %dma_wait3A, %dma_wait3A_87] : memref<2x16x128xf32, #tpu.memory_space<vmem>> -> memref<1x16x128xf32, #tpu.memory_space<vmem>>
      %dma_wait3A_89 = tpu.memref_squeeze %dma_wait3A_88 : memref<1x16x128xf32, #tpu.memory_space<vmem>> -> memref<16x128xf32, #tpu.memory_space<vmem>>
      %dma_wait3A_90 = arith.constant 0 : i32
      %dma_wait3A_91 = tpu.memref_slice %arg10[%rem3A_86, %dma_wait3A_90] : memref<2x16xi32, #tpu.memory_space<vmem>> -> memref<1x16xi32, #tpu.memory_space<vmem>>
      %dma_wait3A_92 = tpu.memref_squeeze %dma_wait3A_91 : memref<1x16xi32, #tpu.memory_space<vmem>> -> memref<16xi32, #tpu.memory_space<vmem>>
      %dma_wait3A_93 = arith.constant 0 : i32
      %dma_wait3A_94 = arith.constant 0 : i32
      %dma_wait3A_95 = tpu.memref_slice %arg4[%dma_wait3A_93, %dma_wait3A_94] : memref<16512x128xf32, #tpu.memory_space<hbm>> -> memref<16512x128xf32, #tpu.memory_space<hbm>>
      %dma_wait3A_96 = tpu.memref_slice %arg12[%rem3A_86] : memref<2x!tpu.dma_semaphore, #tpu.memory_space<semaphore_mem>> -> memref<1x!tpu.dma_semaphore, #tpu.memory_space<semaphore_mem>>
      %dma_wait3A_97 = tpu.memref_squeeze %dma_wait3A_96 : memref<1x!tpu.dma_semaphore, #tpu.memory_space<semaphore_mem>> -> memref<!tpu.dma_semaphore, #tpu.memory_space<semaphore_mem>>
      tpu.wait_indirect_dma semaphore(%dma_wait3A_97 : memref<!tpu.dma_semaphore, #tpu.memory_space<semaphore_mem>>) src(%dma_wait3A_89 : memref<16x128xf32, #tpu.memory_space<vmem>>) dst(%dma_wait3A_95 : memref<16512x128xf32, #tpu.memory_space<hbm>>)
    } else {
    }
    return
  }
}

</mosaic_0001>

<sc_bundles>
// kernel: _embed.3.cloned.1.call-start
scs
__scs_entry_jumppad:
0x0: {  	(pc) =	sbr.rel $0x88, $3  }
0x1: {  	(tag) =	ssettag $0x0;
	lr =	simm.s32 $0x1  }
0x2: {  	[smem:$0x3F9F] =	sst lr;
	_ =	strace $0xD0000000  }
0x3: {  	_ = 	snop  }
0x4: {  	_ = 	snop  }
0x5: {  	_ = 	snop  }
0x6: {  	_ = 	snop  }
0x7: {  	_ = 	snop  }
__scs_overlays_trampoline_lowered:
0x8: {  	[smem:$0x3FAE] =	sst s0  }
0x9: {  	[smem:$0x3FAF] =	sst s1  }
0xa: {  	[smem:$0x3FB0] =	sst s2  }
0xb: {  	[smem:$0x3FB1] =	sst s3  }
0xc: {  	[smem:$0x3FB2] =	sst s4  }
0xd: {  	[smem:$0x3FB3] =	sst s5  }
0xe: {  	[smem:$0x3FB4] =	sst s6  }
0xf: {  	[smem:$0x3FB5] =	sst s7  }
0x10: {  	[smem:$0x3FB6] =	sst s8  }
0x11: {  	[smem:$0x3FB7] =	sst s9;
	s0 =	simm.s32 @!p0 $0x0  }
0x12: {  	s1 =	sld [smem:$0x3F9D];
	s0 =	simm.s32 @p0 $0x1  }
0x13: {  	[smem:$0x3FB8] =	sst s0;
	s0 =	simm.s32 @!p1 $0x0  }
0x14: {  	s2 =	sld [smem:$0x3F9C];
	s0 =	simm.s32 @p1 $0x1  }
0x15: {  	[smem:$0x3FB9] =	sst s0;
	s0 =	simm.s32 @!p2 $0x0  }
0x16: {  	s3 =	sld [smem:$0x3FDB];
	s0 =	simm.s32 @p2 $0x1  }
0x17: {  	s4 =	simm.s32 $0x1BF5;
	[smem:$0x3FBB] =	sst s0  }
0x18: {  	s0 =	sld [smem:$0x3F9E];
	_ =	swait.ge [sflag:s4], $0x0  }
0x19: {  	s7 =	sld [smem:$0x3F9F]  }
0x1a: {  	s8 =	sadd.s32 $0xFFFFE003, lr  }
0x1b: {  	s9 =	sadd.s32 $0xFFFFFEF7, lr;
	s5 =	simm.s32 $0xFFFFFFFF;
	p2 =	slt.u32 s8, $0xFFFFF086  }
0x1c: {  	p1 =	slt.u32 s9, $0xF7A;
	s5 =	simm.s32 @!p2 $0x0  }
0x1d: {  	s5 =	simm.s32 @p1 $0x1;
	p0 =	seq.s32 s7, s2  }
0x1e: {  	s7 =	smul.u32 @!p0 $0xF7A, s2;
	p2 =	seq.s32 @!p0 s5, $0x0  }
0x1f: {  	s9 =	smul.u32 $0xF7A, s1;
	s8 =	simm.s32 @!p0 $0x1BF5;
	p2 =	por !p2, p0  }
0x20: {  	[sflag:s8] =	ssyncset.s32 @!p0 $0xFFFFF086;
	s6 =	sadd.s32 @!p0 s3, s7;
	s7 =	simm.s32 @!p0 $0x108  }
0x21: {  	s3 =	sadd.s32 s3, s9;
	s6 =	sadd.s32 @!p0 $0x88, s6;
	s7 =	simm.s32 @p2 $0x1082  }
0x22: {  	[simem:s7], [sflag:s8] =	dma.local @!p0 [hbm:s6], $0xF7A  }
0x23: {  	s9 =	sor.u32 $0xD0000000, s2;
	s6 =	simm.s32 $0x108;
	_ =	swait.ge @!p0 [sflag:s8], $0x0  }
0x24: {  	s3 =	sadd.s32 $0x88, s3;
	s6 =	simm.s32 @!p1 $0x1082;
	[sflag:s4] =	ssyncset.s32 $0xFFFFF086  }
0x25: {  	[simem:s6], [sflag:s4] =	dma.local [hbm:s3], $0xF7A  }
0x26: {  	[smem:$0x3F9F] =	sst s1;
	(tag) =	ssettag s2;
	_ =	strace s9  }
0x27: {  	s1 =	sld [smem:$0x3FAF]  }
0x28: {  	s2 =	sld [smem:$0x3FB0]  }
0x29: {  	s4 =	sld [smem:$0x3FB2]  }
0x2a: {  	p0 =	seq.s32 s5, $0x0;
	s5 =	sld [smem:$0x3FB3]  }
0x2b: {  	s6 =	sld [smem:$0x3FB4]  }
0x2c: {  	s7 =	sld [smem:$0x3FB5]  }
0x2d: {  	s3 =	simm.s32 $0x108;
	s8 =	sld [smem:$0x3FB6]  }
0x2e: {  	s3 =	simm.s32 @!p0 $0x1082;
	s9 =	sld [smem:$0x3FB7]  }
0x2f: {  	lr =	sadd.s32 s0, s3;
	s0 =	sld [smem:$0x3FAE]  }
0x30: {  	s3 =	sld [smem:$0x3FB1]  }
0x31: {  	[smem:$0x3FBA] =	sst s10  }
0x32: {  	s10 =	sld [smem:$0x3FB8];
	_ =	sdelay $0x3  }
0x33: {  	p0 =	seq.s32 s10, $0x1;
	s10 =	sld [smem:$0x3FBA];
	_ =	sdelay $0x3  }
0x34: {  	[smem:$0x3FBA] =	sst s10  }
0x35: {  	s10 =	sld [smem:$0x3FB9];
	_ =	sdelay $0x3  }
0x36: {  	p1 =	seq.s32 s10, $0x1;
	s10 =	sld [smem:$0x3FBA];
	_ =	sdelay $0x3  }
0x37: {  	[smem:$0x3FBA] =	sst s10  }
0x38: {  	s10 =	sld [smem:$0x3FBB]  }
0x39: {  	_ = 	snop;
	(pc) =	sbr.ind lr, $3  }
0x3a: {  	_ = 	snop  }
0x3b: {  	_ = 	snop  }
0x3c: {  	p2 =	seq.s32 s10, $0x1;
	s10 =	sld [smem:$0x3FBA]  }
0x3d: {  	_ =	shalt  }
0x3e: {  	_ =	shalt  }
0x3f: {  	_ =	shalt  }
0x40: {  	_ =	shalt  }
0x41: {  	_ =	shalt  }
0x42: {  	_ =	shalt  }
0x43: {  	_ =	shalt  }
0x44: {  	_ =	shalt  }
0x45: {  	_ =	shalt  }
0x46: {  	_ =	shalt  }
0x47: {  	_ =	shalt  }
0x48: {  	_ =	shalt  }
0x49: {  	_ =	shalt  }
0x4a: {  	_ =	shalt  }
0x4b: {  	_ =	shalt  }
0x4c: {  	_ =	shalt  }
0x4d: {  	_ =	shalt  }
0x4e: {  	_ =	shalt  }
0x4f: {  	_ =	shalt  }
0x50: {  	_ =	shalt  }
0x51: {  	_ =	shalt  }
0x52: {  	_ =	shalt  }
0x53: {  	_ =	shalt  }
0x54: {  	_ =	shalt  }
0x55: {  	_ =	shalt  }
0x56: {  	_ =	shalt  }
0x57: {  	_ =	shalt  }
0x58: {  	_ =	shalt  }
0x59: {  	_ =	shalt  }
0x5a: {  	_ =	shalt  }
0x5b: {  	_ =	shalt  }
0x5c: {  	_ =	shalt  }
0x5d: {  	_ =	shalt  }
0x5e: {  	_ =	shalt  }
0x5f: {  	_ =	shalt  }
0x60: {  	_ =	shalt  }
0x61: {  	_ =	shalt  }
0x62: {  	_ =	shalt  }
0x63: {  	_ =	shalt  }
0x64: {  	_ =	shalt  }
0x65: {  	_ =	shalt  }
0x66: {  	_ =	shalt  }
0x67: {  	_ =	shalt  }
0x68: {  	_ =	shalt  }
0x69: {  	_ =	shalt  }
0x6a: {  	_ =	shalt  }
0x6b: {  	_ =	shalt  }
0x6c: {  	_ =	shalt  }
0x6d: {  	_ =	shalt  }
0x6e: {  	_ =	shalt  }
0x6f: {  	_ =	shalt  }
0x70: {  	_ =	shalt  }
0x71: {  	_ =	shalt  }
0x72: {  	_ =	shalt  }
0x73: {  	_ =	shalt  }
0x74: {  	_ =	shalt  }
0x75: {  	_ =	shalt  }
0x76: {  	_ =	shalt  }
0x77: {  	_ =	shalt  }
0x78: {  	_ =	shalt  }
0x79: {  	_ =	shalt  }
0x7a: {  	_ =	shalt  }
0x7b: {  	_ =	shalt  }
0x7c: {  	_ =	shalt  }
0x7d: {  	_ =	shalt  }
0x7e: {  	_ =	shalt  }
0x7f: {  	_ =	shalt  }
0x80: {  	_ =	shalt  }
0x81: {  	_ =	shalt  }
0x82: {  	_ =	shalt  }
0x83: {  	_ =	shalt  }
0x84: {  	_ =	shalt  }
0x85: {  	_ =	shalt  }
0x86: {  	_ =	shalt  }
0x87: {  	_ =	shalt  }
.Lfunc_end0:
.L_simem_size_0:
called_computation_lowered:
.L_overlay_start_0:
0x88: {  	s2 =	sld [smem:$0x3FD9]  }
0x89: {  	s3 =	sld [smem:$0x3FFE];
	_ =	sdelay $0x1  }
0x8a: {  	s1 =	srdreg.scid  }
0x8b: {  	s0 =	sand.u32 $0x1, s1  }
0x8c: {  	s17 =	sshll.u32 s0, $0xA;
	s2 =	sadd.s32 s3, s2  }
0x8d: {  	s2 =	sadd.s32 s2, s17  }
0x8e: {  	[smem:$0x3FC6] =	sst s2  }
0x8f: {  	_ = 	snop  }
0x90: {  	s2 =	sld [smem:$0x3FC9]  }
0x91: {  	s18 =	sld [smem:$0x3FC8];
	(tm) =	ssettm $0x1  }
0x92: {  	s4 =	sld [smem:$0x3FFB];
	_ =	sdelay $0x3  }
0x93: {  	_ =	strace s4  }
0x94: {  	s4 =	sld [smem:$0x3FFC];
	_ =	sdelay $0x3  }
0x95: {  	_ =	strace s4  }
0x96: {  	s4 =	sld [smem:$0x3FFD];
	_ =	sdelay $0x3  }
0x97: {  	_ =	strace s4  }
0x98: {  	_ =	strace $0x8FFFFFFF  }
0x99: {  	s19 =	sld [smem:$0x3FDB];
	_ =	sdelay $0x1  }
0x9a: {  	s5 =	simm.s32 $_scs_section_size  }
0x9b: {  	s6 =	simm.s32 $_size__tile_overlayer_lowered;
	s7 =	simm.s32 $_tile_overlayer_lowered  }
0x9c: {  	s22 =	simm.s32 $0x1BFF;
	s21 =	sshll.u32 s7, $0x1;
	s4 =	sadd.s32 s5, s19  }
0x9d: {  	s8 =	simm.s32 $0x0;
	s20 =	sshll.u32 s6, $0x1;
	s6 =	sadd.s32 s21, s4  }
0x9e: {  	[timem:s8], [sflag:s22] =	dma.local [hbm:s6], s20  }
0x9f: {  	_ =	swait.ge [sflag:s22], s20  }
0xa0: {  	s5 =	ssub.s32 $0x0, s20;
	[sflag:s22] =	ssyncset.done $0x0  }
0xa1: {  	[sflag:s22] =	ssyncadd.s32 s5;
	_ =	sdelay $0x1  }
0xa2: {  	s23 =	simm.s32 $0x1B8B  }
0xa3: {  	_ =	swait.ge [sflag:s23], $0x1  }
0xa4: {  	[sflag:s23] =	ssyncset.done $0x0  }
0xa5: {  	s25 =	simm.s32 $0x1B8E;
	s24 =	sld [smem:$0x3FFE];
	[sflag:s23] =	ssyncadd.s32 $0xFFFFFFFF  }
0xa6: {  	s26 =	simm.s32 $execute0_lowered;
	[smem:$0x3FD2] =	sst s25  }
0xa7: {  	s6 =	sshll.u32 s26, $0x1;
	_ =	strace $0x80000046;
	[dreg:$0x1] =	wrdreg $0xFFFFFFFF  }
0xa8: {  	s28 =	simm.s32 $_size_execute0_lowered;
	s4 =	sadd.s32 s4, s6;
	[dreg:$0x0] =	wrdreg $0x0  }
0xa9: {  	s6 =	sshll.u32 s28, $0x1;
	[dreg:$0x2] =	wrdreg s4  }
0xaa: {  	[dreg:$0x3] =	wrdreg s6  }
0xab: {  	[dreg:$0x4] =	wrdreg $0xC0  }
0xac: {  	_ =	task [dreg:s8], $0x5FFFF  }
0xad: {  	[dreg:$0x1] =	wrdreg $0xFFFFFFFF  }
0xae: {  	[dreg:$0x0] =	wrdreg $0x60  }
0xaf: {  	[dreg:$0x2] =	wrdreg s2  }
0xb0: {  	[dreg:$0x3] =	wrdreg s18  }
0xb1: {  	[dreg:$0x4] =	wrdreg s24  }
0xb2: {  	[dreg:$0x5] =	wrdreg $0x9  }
0xb3: {  	_ =	task.clear_ibuf [dreg:s8], $0x6FFFF;
	_ =	strace $0x90000046  }
0xb4: {  	s29 =	simm.s32 $0x9;
	_ =	strace $0x80000048  }
0xb5: {  	_ =	swait.ge [sflag:s29], $0x1  }
0xb6: {  	[sflag:s29] =	ssyncadd.s32 $0xFFFFFFFF  }
0xb7: {  	_ =	strace $0x90000048  }
0xb8: {  	_ =	sfence  }
0xb9: {  	s30 =	sld [smem:$0x0];
	_ =	sdelay $0x2  }
0xba: {  	s31 =	sshll.u32 s1, $0xD;
	s1 =	sshrl.u32 s1, $0x2  }
0xbb: {  	s3 =	sand.u32 $0x4000, s31;
	s1 =	sadd.s32 s1, s30  }
0xbc: {  	s0 =	sor.u32 s3, s0;
	s1 =	sshll.u32 s1, $0x11  }
0xbd: {  	s0 =	sor.u32 s1, s0  }
0xbe: {  	s0 =	sadd.s32 $0x8F2B, s0  }
0xbf: {  	[sflag:s0] =	ssyncadd.remote.s32 $0x1  }
0xc0: {  	_ =	sfence.sel $0xFFFF  }
0xc1: {  	[dreg:$0x0] =	wrdreg $0xFFFFFFFF;
	(pc) =	sbr.abs _section_cstart, $3  }
0xc2: {  	[dreg:$0x1] =	wrdreg $0xFFFFFFFF  }
0xc3: {  	_ =	task.clear_ibuf [dreg:s8], $0x2FFFF;
	_ =	strace $0x9FFFFFFF  }
0xc4: {  	(tm) =	ssettm $0x7FFFFFFF  }
0xc5: {  	_ =	shalt  }
tec
execute0_lowered:
.L_overlay_start_1:
0x0: {  	(tag) =	ssettag $0x1  }
0x1: {  	s3 =	rddreg [dreg:$0x1]  }
0x2: {  	s0 =	rddreg [dreg:$0x2];
	s1 =	simm.s32 $0x0;
	s26 =	srdreg.scid  }
0x3: {  	s2 =	stileid.u32;
	[smem:$0x7FF] =	sst s1  }
0x4: {  	v0 =	vimm.s32 $0x1380;
	vm13 =	vcmask $0x300;
	s1 =	sand.u32 $0x1, s26;
	s4 =	sadd.s32 $0x1E8500, s3;
	s5 =	sadd.s32 $0x2DC780, s3  }
0x5: {  	vm14 =	vcmask $0x704;
	v0 =	vsel vm13, $0x0, v0;
	s2 =	sshll.u32 s2, $0x1;
	s6 =	sadd.s32 $0x3D0A00, s3;
	s8 =	sadd.s32 $0x4C4C80, s3  }
0x6: {  	vm12 =	vcmask $0xB08;
	s9 =	sadd.s32 $0x400, s0;
	s10 =	sadd.s32 $0x5B8F00, s3;
	s29 =	sadd.s32 $0xF4280, s3;
	v0 =	vsel vm14, $0x80, v0  }
0x7: {  	vm11 =	vcmask $0xF0C;
	_ =	strace $0x80000047;
	s2 =	sor.u32 s1, s2;
	[dreg:$0x9] =	wrdreg s29;
	v0 =	vsel vm12, $0x100, v0  }
0x8: {  	vm10 =	vcmask $0x1310;
	s28 =	ssub.s32 $0x2, s1;
	[dreg:$0x5] =	wrdreg s4;
	s7 =	smul.u32 $0x7A80, s2;
	v0 =	vsel vm11, $0x180, v0  }
0x9: {  	vm9 =	vcmask $0x1714;
	s15 =	sadd.s32 $0x6AD180, s3;
	[dreg:$0x6] =	wrdreg s5;
	s1 =	sshrl.u32 s28, $0x1;
	v0 =	vsel vm10, $0x200, v0  }
0xa: {  	vm8 =	vcmask $0x1B18;
	[dreg:$0x8] =	wrdreg s6;
	s0 =	ssub.s32 s28, s1;
	s1 =	sadd.s32 s7, s29;
	v0 =	vsel vm9, $0x280, v0  }
0xb: {  	vm7 =	vcmask $0x1F1C;
	s12 =	sadd.s32 s3, s7;
	s3 =	sadd.s32 s7, s4;
	[dreg:$0xb] =	wrdreg s1;
	v0 =	vsel vm8, $0x300, v0  }
0xc: {  	vm6 =	vcmask $0x2320;
	s5 =	sadd.s32 s7, s5;
	[dreg:$0xc] =	wrdreg s3;
	v0 =	vsel vm7, $0x380, v0  }
0xd: {  	vm5 =	vcmask $0x2724;
	s6 =	sadd.s32 s7, s6;
	[dreg:$0xe] =	wrdreg s5;
	v1 =	vsel vm6, $0x1000, v0  }
0xe: {  	vm4 =	vcmask $0x2B28;
	s0 =	smax.u32 s0, $0x1;
	[dreg:$0xf] =	wrdreg s6;
	v1 =	vsel vm5, $0x1080, v1  }
0xf: {  	vm0 =	vcmask $0x2F2C;
	v2 =	vimm.s32 $0x3380;
	s16 =	sadd.s32 s7, s8;
	[dreg:$0x13] =	wrdreg s0;
	v1 =	vsel vm4, $0x1100, v1  }
0x10: {  	vm1 =	vcmask $0x3330;
	v2 =	vsel vm13, $0x2000, v2;
	s22 =	sadd.s32 s7, s10;
	[dreg:$0x14] =	wrdreg s16;
	v1 =	vsel vm0, $0x1180, v1  }
0x11: {  	vm2 =	vcmask $0x3734;
	v2 =	vsel vm14, $0x2080, v2;
	s25 =	sadd.s32 s7, s15;
	[dreg:$0x1a] =	wrdreg s22;
	v1 =	vsel vm1, $0x1200, v1  }
0x12: {  	vm3 =	vcmask $0x3B38;
	v4 =	vsel vm12, $0x2100, v2;
	[dreg:$0x1d] =	wrdreg s25;
	v3 =	vsel vm2, $0x1280, v1  }
0x13: {  	s31 =	sadd.s32 $0x1E8700, s12;
	[dreg:$0x7] =	wrdreg s12;
	v2 =	vsel vm3, $0x1300, v3;
	v3 =	vsel vm11, $0x2180, v4  }
0x14: {  	v5 =	vimm.s32 $0x7380;
	s4 =	sadd.s32 $0x2DC980, s12;
	[dreg:$0xa] =	wrdreg s31;
	v4 =	vimm.s32 $0x5380;
	v3 =	vsel vm10, $0x2200, v3  }
0x15: {  	s11 =	sadd.s32 $0x3D0C00, s12;
	[dreg:$0xd] =	wrdreg s4;
	v6 =	vsel vm9, $0x2280, v3;
	v3 =	vsel vm13, $0x4000, v4;
	v4 =	vsel vm13, $0x6000, v5  }
0x16: {  	s13 =	sadd.s32 $0x200, s12;
	[dreg:$0x10] =	wrdreg s11;
	v3 =	vsel vm14, $0x4080, v3;
	v4 =	vsel vm14, $0x6080, v4  }
0x17: {  	s14 =	sadd.s32 $0x4C4E80, s12;
	[dreg:$0x11] =	wrdreg s13;
	v0 =	vimm.s32 $0x40000000;
	v3 =	vsel vm12, $0x4100, v3;
	v4 =	vsel vm12, $0x6100, v4  }
0x18: {  	s17 =	sadd.s32 $0x5B9100, s12;
	[dreg:$0x12] =	wrdreg s14;
	v1 =	vimm.s32 $0x4000;
	v5 =	vsel vm11, $0x4180, v3;
	v4 =	vsel vm11, $0x6180, v4  }
0x19: {  	s2 =	smin.u32 s7, $0xEC7C0;
	s18 =	sadd.s32 $0x6AD380, s12;
	[dreg:$0x15] =	wrdreg s17;
	v6 =	vsel vm8, $0x2300, v6;
	v5 =	vsel vm10, $0x4200, v5;
	v7 =	vsel vm10, $0x6200, v4  }
0x1a: {  	s2 =	sadd.s32 $0x7A80, s2;
	s19 =	sadd.s32 $0xF4480, s12;
	[dreg:$0x16] =	wrdreg s18;
	v6 =	vsel vm7, $0x2380, v6;
	v5 =	vsel vm9, $0x4280, v5;
	v7 =	vsel vm9, $0x6280, v7  }
0x1b: {  	s20 =	sadd.s32 $0x400, s12;
	s21 =	sadd.s32 $0x1E8900, s12;
	[dreg:$0x17] =	wrdreg s19;
	v3 =	vmov s2;
	v5 =	vsel vm8, $0x4300, v5;
	v7 =	vsel vm8, $0x6300, v7  }
0x1c: {  	s23 =	sadd.s32 $0x2DCB80, s12;
	[dreg:$0x18] =	wrdreg s20;
	v6 =	vsel vm6, $0x3000, v6;
	v5 =	vsel vm7, $0x4380, v5;
	v7 =	vsel vm7, $0x6380, v7  }
0x1d: {  	s24 =	sadd.s32 $0x3D0E00, s12;
	s26 =	sadd.s32 $0x4C5080, s12;
	[dreg:$0x19] =	wrdreg s21;
	v4 =	vmov s7;
	v5 =	vsel vm6, $0x5000, v5;
	v7 =	vsel vm6, $0x7000, v7  }
0x1e: {  	s30 =	simm.s32 $0x0;
	s28 =	sadd.s32 $0x5B9300, s12;
	[dreg:$0x1b] =	wrdreg s23;
	v6 =	vsel vm5, $0x3080, v6;
	v5 =	vsel vm5, $0x5080, v5;
	v7 =	vsel vm5, $0x7080, v7  }
.Ltmp0:
0x1f: {  	s29 =	sadd.s32 $0xF4680, s12;
	[dreg:$0x1c] =	wrdreg s24;
	v6 =	vsel vm4, $0x3100, v6;
	v5 =	vsel vm4, $0x5100, v5;
	v7 =	vsel vm4, $0x7100, v7;
	(pc) =	sbr.rel .LBB2_1-.Ltmp0, $4  }
0x20: {  	s11 =	smov.u32 s8;
	s13 =	smov.u32 s10;
	[dreg:$0x1e] =	wrdreg s26;
	v6 =	vsel vm0, $0x3180, v6;
	v5 =	vsel vm0, $0x5180, v5;
	v7 =	vsel vm0, $0x7180, v7  }
0x21: {  	s14 =	smov.u32 s15;
	[dreg:$0x1f] =	wrdreg s28;
	s31 =	sadd.s32 $0x6AD580, s12;
	v6 =	vsel vm1, $0x3200, v6;
	v5 =	vsel vm1, $0x5200, v5;
	v7 =	vsel vm1, $0x7200, v7  }
0x22: {  	[smem:$0x7FC] =	sst s29;
	s20 =	sadd.s32 $0x600, s7;
	s21 =	simm.s32 $0x4000;
	v6 =	vsel vm2, $0x3280, v6;
	v8 =	vsel vm2, $0x5280, v5;
	v7 =	vsel vm2, $0x7280, v7  }
0x23: {  	s23 =	simm.s32 $0x1C800;
	[smem:$0x7FD] =	sst s31;
	s2 =	simm.s32 $0x0;
	v5 =	vsel vm3, $0x3300, v6;
	v6 =	vsel vm3, $0x5300, v8;
	v7 =	vsel vm3, $0x7300, v7  }
.LBB2_16:
0x24: {  	p0 =	slt.s32 s24, $0x1  }
0x25: {  	s0 =	sshrl.u32 @!p0 s22, $0x1F  }
0x26: {  	s0 =	sadd.s32 @!p0 s0, s22  }
0x27: {  	s0 =	sand.u32 @!p0 $0xFFFFFFFE, s0  }
0x28: {  	s0 =	ssub.s32 @!p0 s22, s0  }
0x29: {  	s1 =	sshll.u32 @!p0 s0, $0xD;
	s2 =	sshll.u32 @!p0 s0, $0x9  }
0x2a: {  	s3 =	simm.s32 @!p0 $0x10;
	s1 =	sshra.s32 @!p0 s1, $0x2;
	s2 =	sshra.s32 @!p0 s2, $0x2  }
0x2b: {  	s0 =	sadd.s32 @!p0 $0x4, s0;
	s1 =	sadd.s32 @!p0 $0x1C880, s1;
	s2 =	sadd.s32 @!p0 $0x1D880, s2  }
0x2c: {  	[hbm4b:s9+s3] =	stream.indirect.scatter @!p0 [tilespmem:s1], [sflag:s0], $0x80, s2, s3, $0xb8;
	[tilespmem:$0x1D980] =	vst v63  }
0x2d: {  	s0 =	sadd.s32 @!p0 $0x1, s22  }
0x2e: {  	[smem:$0x0] =	sst @!p0 s0;
	s0 =	smov.u32 @p0 s22  }
0x2f: {  	p0 =	slt.s32 s0, $0x1  }
0x30: {  	s1 =	sand.u32 @!p0 $0x1, s0  }
0x31: {  	s2 =	sxor.u32 @!p0 $0x1, s1  }
0x32: {  	s2 =	sor.u32 @!p0 $0x4, s2  }
0x33: {  	p1 =	seq.s32 @!p0 s0, $0x1;
	_ =	swait.ge @!p0 [sflag:s2], $0x800  }
0x34: {  	p1 =	por p1, p0;
	[sflag:s2] =	ssyncset.done @!p0 $0x0  }
0x35: {  	s0 =	sor.u32 @!p1 $0x4, s1;
	[sflag:s2] =	ssyncadd.s32 @!p0 $0xFFFFF800  }
0x36: {  	_ =	swait.ge @!p1 [sflag:s0], $0x800  }
0x37: {  	s29 =	sld [smem:$0x7FB];
	_ =	sdelay $0x2  }
0x38: {  	s31 =	rddreg [dreg:$0x13];
	s2 =	sadd.s32 $0x1, s29  }
0x39: {  	p0 =	sne.s32 s2, s31  }
.Ltmp1:
0x3a: {  	_ = 	snop;
	(pc) =	sbr.rel @!p0 .LBB2_17-.Ltmp1, $3  }
0x3b: {  	_ =	sdelay $0x1  }
0x3c: {  	[sflag:s0] =	ssyncset.done @!p1 $0x0  }
0x3d: {  	[sflag:s0] =	ssyncadd.s32 @!p1 $0xFFFFF800  }
.LBB2_1:
0x3e: {  	[smem:$0x7FB] =	sst s2  }
0x3f: {  	s0 =	rddreg [dreg:$0x7]  }
0x40: {  	s1 =	simm.s32 $0x0;
	s17 =	rddreg [dreg:$0xb]  }
0x41: {  	[tilespmem:s21], [sflag:$0x1] =	stream.linear.gather [hbm4b:s0+s1], $0x1000, $0x38;
	[tilespmem:$0x1D980] =	vst v63  }
0x42: {  	s18 =	simm.s32 $0x5000;
	s19 =	rddreg [dreg:$0xc]  }
0x43: {  	[tilespmem:s18], [sflag:$0x1] =	stream.linear.gather [hbm4b:s17+s1], $0x1000, $0x38;
	[tilespmem:$0x1D980] =	vst v63  }
0x44: {  	s22 =	simm.s32 $0x6000;
	s24 =	rddreg [dreg:$0xe]  }
0x45: {  	[tilespmem:s22], [sflag:$0x1] =	stream.linear.gather [hbm4b:s19+s1], $0x1000, $0x38;
	[tilespmem:$0x1D980] =	vst v63  }
0x46: {  	s25 =	simm.s32 $0x7000;
	s26 =	rddreg [dreg:$0xf]  }
0x47: {  	[tilespmem:s25], [sflag:$0x1] =	stream.linear.gather [hbm4b:s24+s1], $0x1000, $0x38;
	[tilespmem:$0x1D980] =	vst v63  }
0x48: {  	s28 =	simm.s32 $0x8000;
	s29 =	rddreg [dreg:$0x14]  }
0x49: {  	[tilespmem:s28], [sflag:$0x1] =	stream.linear.gather [hbm4b:s26+s1], $0x1000, $0x38;
	[tilespmem:$0x1D980] =	vst v63  }
0x4a: {  	s31 =	simm.s32 $0x9000;
	s2 =	rddreg [dreg:$0x1a]  }
0x4b: {  	[tilespmem:s31], [sflag:$0x1] =	stream.linear.gather [hbm4b:s29+s1], $0x1000, $0x38;
	[tilespmem:$0x1D980] =	vst v63  }
0x4c: {  	s3 =	simm.s32 $0xA000;
	s4 =	rddreg [dreg:$0x1d]  }
0x4d: {  	[tilespmem:s3], [sflag:$0x1] =	stream.linear.gather [hbm4b:s2+s1], $0x1000, $0x38;
	[tilespmem:$0x1D980] =	vst v63  }
0x4e: {  	s5 =	simm.s32 $0xB000;
	s6 =	rddreg [dreg:$0x11]  }
0x4f: {  	[tilespmem:s5], [sflag:$0x1] =	stream.linear.gather [hbm4b:s4+s1], $0x1000, $0x38;
	[tilespmem:$0x1D980] =	vst v63  }
0x50: {  	s8 =	simm.s32 $0xC000;
	s10 =	rddreg [dreg:$0x17]  }
0x51: {  	[tilespmem:s8], [sflag:$0x2] =	stream.linear.gather [hbm4b:s6+s1], $0x1000, $0x38;
	[tilespmem:$0x1D980] =	vst v63  }
0x52: {  	s12 =	simm.s32 $0xD000;
	s15 =	rddreg [dreg:$0xa]  }
0x53: {  	[tilespmem:s12], [sflag:$0x2] =	stream.linear.gather [hbm4b:s10+s1], $0x1000, $0x38;
	[tilespmem:$0x1D980] =	vst v63  }
0x54: {  	s16 =	simm.s32 $0xE000;
	s17 =	rddreg [dreg:$0xd]  }
0x55: {  	[tilespmem:s16], [sflag:$0x2] =	stream.linear.gather [hbm4b:s15+s1], $0x1000, $0x38;
	[tilespmem:$0x1D980] =	vst v63  }
0x56: {  	s18 =	simm.s32 $0xF000;
	s19 =	rddreg [dreg:$0x10]  }
0x57: {  	[tilespmem:s18], [sflag:$0x2] =	stream.linear.gather [hbm4b:s17+s1], $0x1000, $0x38;
	[tilespmem:$0x1D980] =	vst v63  }
0x58: {  	s22 =	simm.s32 $0x10000;
	s24 =	rddreg [dreg:$0x12]  }
0x59: {  	[tilespmem:s22], [sflag:$0x2] =	stream.linear.gather [hbm4b:s19+s1], $0x1000, $0x38;
	[tilespmem:$0x1D980] =	vst v63  }
0x5a: {  	s25 =	simm.s32 $0x11000;
	s26 =	rddreg [dreg:$0x15]  }
0x5b: {  	[tilespmem:s25], [sflag:$0x2] =	stream.linear.gather [hbm4b:s24+s1], $0x1000, $0x38;
	[tilespmem:$0x1D980] =	vst v63  }
0x5c: {  	s28 =	simm.s32 $0x12000;
	s29 =	rddreg [dreg:$0x16]  }
0x5d: {  	[tilespmem:s28], [sflag:$0x2] =	stream.linear.gather [hbm4b:s26+s1], $0x1000, $0x38;
	[tilespmem:$0x1D980] =	vst v63  }
0x5e: {  	s31 =	simm.s32 $0x13000;
	s3 =	rddreg [dreg:$0x18]  }
0x5f: {  	[tilespmem:s31], [sflag:$0x2] =	stream.linear.gather [hbm4b:s29+s1], $0x1000, $0x38;
	[tilespmem:$0x1D980] =	vst v63  }
0x60: {  	s4 =	simm.s32 $0x14000;
	s5 =	sld [smem:$0x7FC]  }
0x61: {  	[tilespmem:s4], [sflag:$0x3] =	stream.linear.gather [hbm4b:s3+s1], $0x1000, $0x38;
	[tilespmem:$0x1D980] =	vst v63  }
0x62: {  	s6 =	simm.s32 $0x15000;
	s8 =	rddreg [dreg:$0x19]  }
0x63: {  	[tilespmem:s6], [sflag:$0x3] =	stream.linear.gather [hbm4b:s5+s1], $0x1000, $0x38;
	[tilespmem:$0x1D980] =	vst v63  }
0x64: {  	s10 =	simm.s32 $0x16000;
	s12 =	rddreg [dreg:$0x1b]  }
0x65: {  	[tilespmem:s10], [sflag:$0x3] =	stream.linear.gather [hbm4b:s8+s1], $0x1000, $0x38;
	[tilespmem:$0x1D980] =	vst v63  }
0x66: {  	s15 =	simm.s32 $0x17000;
	s16 =	rddreg [dreg:$0x1c]  }
0x67: {  	[tilespmem:s15], [sflag:$0x3] =	stream.linear.gather [hbm4b:s12+s1], $0x1000, $0x38;
	[tilespmem:$0x1D980] =	vst v63  }
0x68: {  	s17 =	simm.s32 $0x18000;
	s18 =	rddreg [dreg:$0x1e]  }
0x69: {  	[tilespmem:s17], [sflag:$0x3] =	stream.linear.gather [hbm4b:s16+s1], $0x1000, $0x38;
	[tilespmem:$0x1D980] =	vst v63  }
0x6a: {  	s19 =	simm.s32 $0x19000;
	s22 =	rddreg [dreg:$0x1f]  }
0x6b: {  	[tilespmem:s19], [sflag:$0x3] =	stream.linear.gather [hbm4b:s18+s1], $0x1000, $0x38;
	[tilespmem:$0x1D980] =	vst v63  }
0x6c: {  	s24 =	simm.s32 $0x1A000;
	s25 =	sld [smem:$0x7FD]  }
0x6d: {  	[tilespmem:s24], [sflag:$0x3] =	stream.linear.gather [hbm4b:s22+s1], $0x1000, $0x38;
	[tilespmem:$0x1D980] =	vst v63  }
0x6e: {  	s26 =	simm.s32 $0x1B000  }
0x6f: {  	[tilespmem:s26], [sflag:$0x3] =	stream.linear.gather [hbm4b:s25+s1], $0x1000, $0x38;
	[tilespmem:$0x1D980] =	vst v63  }
0x70: {  	s28 =	rddreg [dreg:$0x0];
	s29 =	simm.s32 $0x6  }
0x71: {  	[tilespmem:s1], [sflag:$0x6] =	stream.linear.gather [hbm4b:s28+s1], $0x4000, $0x38;
	[tilespmem:$0x1D980] =	vst v63  }
0x72: {  	_ =	swait.ge [sflag:s29], $0x4000  }
0x73: {  	[sflag:s29] =	ssyncset.done $0x0  }
0x74: {  	[sflag:s29] =	ssyncadd.s32 $0xFFFFC000  }
0x75: {  	v8 =	vld [tilespmem:s1+$0x0];
	_ =	sdelay $0x4  }
0x76: {  	vm0 =	vge.s32 v8, v4;
	vm1 =	vlt.s32 v8, v3  }
0x77: {  	vm0 =	vmand vm0, vm1  }
0x78: {  	v9 =	vmpcnt.ones.xlane vm0;
	_ =	sdelay $0x1  }
0x79: {  	(v2sf) =	vpush v9, $0x0;
	_ =	sdelay $0xe  }
0x7a: {  	s31 =	spop (v2sf)  }
0x7b: {  	p1 =	slt.s32 s31, $0x1  }
0x7c: {  	v9 =	vlaneseq.u32 @!p1  }
0x7d: {  	v10 =	vmov @!p1 s1;
	v9 =	vmul.u32 @!p1 $0x8000, v9  }
0x7e: {  	s0 =	sadd.s32 $0x0, s31;
	v10 =	vshll.u32 @!p1 v10, $0xF  }
0x7f: {  	s2 =	simm.s32 $0x0;
	v8 =	vsub.s32 @!p1 v8, v4;
	p0 =	slt.s32 s0, $0x7F0;
	v9 =	vor.u32 @!p1 v9, v10  }
0x80: {  	s3 =	simm.s32 $0x0;
	s1 =	simm.s32 $0x10;
	s0 =	simm.s32 @!p0 $0x7F0;
	v8 =	vor.u32 @!p1 v9, v8  }
.LBB2_2:
0x81: {  	[tilespmem:s3+$0x1C000] =	vst.msk @!p1 vm0, v8;
	s2 =	sadd.s32 $0x10, s2;
	s4 =	smov.u32 s1;
	s1 =	sadd.s32 $0x10, s1  }
0x82: {  	s3 =	smov.u32 s0;
	v8 =	vld [tilespmem:s2+$0x0];
	p0 =	sne.s32 s1, $0x4000;
	_ =	sdelay $0x4  }
0x83: {  	vm0 =	vge.s32 v8, v4;
	vm1 =	vlt.s32 v8, v3  }
0x84: {  	vm0 =	vmand vm0, vm1  }
0x85: {  	v9 =	vmpcnt.ones.xlane vm0;
	_ =	sdelay $0x1  }
0x86: {  	(v2sf) =	vpush v9, $0x0;
	_ =	sdelay $0xe  }
0x87: {  	s5 =	spop (v2sf)  }
0x88: {  	p1 =	slt.s32 s5, $0x1;
	s0 =	sadd.s32 s0, s5  }
.Ltmp2:
0x89: {  	v8 =	vsub.s32 @!p1 v8, v4;
	v9 =	vmov @!p1 s4;
	v10 =	vlaneseq.u32 @!p1;
	p2 =	slt.s32 s0, $0x7F0;
	(pc) =	sbr.rel @p0 .LBB2_2-.Ltmp2, $3  }
0x8a: {  	v9 =	vshll.u32 @!p1 v9, $0xF;
	v10 =	vmul.u32 @!p1 $0x8000, v10;
	s0 =	simm.s32 @!p2 $0x7F0;
	_ =	sdelay $0x1  }
0x8b: {  	v9 =	vor.u32 @!p1 v10, v9  }
0x8c: {  	v8 =	vor.u32 @!p1 v9, v8  }
.Ltmp3:
0x8d: {  	(pc) =	sbr.rel .LBB2_4-.Ltmp3, $4  }
0x8e: {  	[tilespmem:s3+$0x1C000] =	vst.msk @!p1 vm0, v8  }
0x8f: {  	s31 =	sadd.s32 $0xF, s0;
	[tilespmem:s0+$0x1C000] =	vst v0  }
0x90: {  	s22 =	simm.s32 $0x0;
	s24 =	simm.s32 $0x0;
	s25 =	sshra.s32 s31, $0x4;
	[tilespmem:$0x1D880] =	vst v1  }
0x91: {  	s26 =	simm.s32 $0x0;
	[smem:$0x0] =	sst s22;
	[tilespmem:$0x1D900] =	vst v1;
	p0 =	slt.s32 s25, $0x1  }
.LBB2_15:
0x92: {  	p1 =	sgt.u32 s26, $0x3A  }
0x93: {  	s0 =	sadd.s32 @!p1 s29, s20  }
0x94: {  	p2 =	sgt.u32 @!p1 s0, $0xF423F  }
0x95: {  	s4 =	rddreg [dreg:$0x1];
	p1 =	por p2, p1  }
0x96: {  	s0 =	smin.u32 @!p1 s0, $0xF4080;
	s1 =	sadd.s32 @!p1 $0x1, s28;
	s2 =	sshll.u32 @!p1 s28, $0xF  }
0x97: {  	s5 =	simm.s32 @!p1 $0x0;
	s3 =	sor.u32 @!p1 $0x4000, s2;
	s4 =	sadd.s32 @!p1 s4, s0  }
0x98: {  	[tilespmem:s3], [sflag:s1] =	stream.linear.gather @!p1 [hbm4b:s4+s5], $0x1000, $0x38;
	[tilespmem:$0x1D980] =	vst v63  }
0x99: {  	s4 =	rddreg [dreg:$0x9]  }
0x9a: {  	s3 =	sor.u32 @!p1 $0x5000, s2;
	s4 =	sadd.s32 @!p1 s0, s4  }
0x9b: {  	[tilespmem:s3], [sflag:s1] =	stream.linear.gather @!p1 [hbm4b:s4+s5], $0x1000, $0x38;
	[tilespmem:$0x1D980] =	vst v63  }
0x9c: {  	s4 =	rddreg [dreg:$0x5]  }
0x9d: {  	s3 =	sor.u32 @!p1 $0x6000, s2;
	s4 =	sadd.s32 @!p1 s0, s4  }
0x9e: {  	[tilespmem:s3], [sflag:s1] =	stream.linear.gather @!p1 [hbm4b:s4+s5], $0x1000, $0x38;
	[tilespmem:$0x1D980] =	vst v63  }
0x9f: {  	s4 =	rddreg [dreg:$0x6]  }
0xa0: {  	s3 =	sor.u32 @!p1 $0x7000, s2;
	s4 =	sadd.s32 @!p1 s0, s4  }
0xa1: {  	[tilespmem:s3], [sflag:s1] =	stream.linear.gather @!p1 [hbm4b:s4+s5], $0x1000, $0x38;
	[tilespmem:$0x1D980] =	vst v63  }
0xa2: {  	s4 =	rddreg [dreg:$0x8]  }
0xa3: {  	s3 =	sadd.s32 @!p1 $0x8000, s2;
	s4 =	sadd.s32 @!p1 s0, s4  }
0xa4: {  	[tilespmem:s3], [sflag:s1] =	stream.linear.gather @!p1 [hbm4b:s4+s5], $0x1000, $0x38;
	[tilespmem:$0x1D980] =	vst v63  }
0xa5: {  	s3 =	sadd.s32 @!p1 $0x9000, s2;
	s4 =	sadd.s32 @!p1 s0, s11  }
0xa6: {  	[tilespmem:s3], [sflag:s1] =	stream.linear.gather @!p1 [hbm4b:s4+s5], $0x1000, $0x38;
	[tilespmem:$0x1D980] =	vst v63  }
0xa7: {  	s3 =	sadd.s32 @!p1 $0xA000, s2;
	s4 =	sadd.s32 @!p1 s0, s13  }
0xa8: {  	[tilespmem:s3], [sflag:s1] =	stream.linear.gather @!p1 [hbm4b:s4+s5], $0x1000, $0x38;
	[tilespmem:$0x1D980] =	vst v63  }
0xa9: {  	s26 =	sadd.s32 $0x1, s26;
	s2 =	sadd.s32 @!p1 $0xB000, s2;
	s0 =	sadd.s32 @!p1 s0, s14  }
0xaa: {  	[tilespmem:s2], [sflag:s1] =	stream.linear.gather @!p1 [hbm4b:s0+s5], $0x1000, $0x38;
	[tilespmem:$0x1D980] =	vst v63  }
0xab: {  	p1 =	sne.s32 s26, $0x3E  }
.Ltmp4:
0xac: {  	_ = 	snop;
	(pc) =	sbr.rel @!p1 .LBB2_16-.Ltmp4, $1  }
0xad: {  	_ =	sdelay $0x3  }
.LBB2_4:
0xae: {  	s0 =	smul.u32 $0xAB, s26;
	_ =	sdelay $0x1  }
0xaf: {  	s0 =	sshrl.u32 s0, $0x9  }
0xb0: {  	s0 =	sand.u32 $0x7F, s0  }
0xb1: {  	s0 =	smul.u32 $0x3, s0  }
0xb2: {  	s29 =	sshll.u32 s26, $0x9  }
0xb3: {  	s1 =	ssub.s32 s26, s0;
	s0 =	sadd.s32 s7, s29  }
.Ltmp5:
0xb4: {  	s28 =	sand.u32 $0xFF, s1;
	p1 =	sgt.u32 s0, $0xF423F;
	(pc) =	sbr.rel @p0 .LBB2_15-.Ltmp5, $4  }
0xb5: {  	s1 =	sadd.s32 @!p1 $0x1, s28  }
0xb6: {  	_ =	swait.ge @!p1 [sflag:s1], $0x8000  }
0xb7: {  	[sflag:s1] =	ssyncset.done @!p1 $0x0  }
0xb8: {  	[sflag:s1] =	ssyncadd.s32 @!p1 $0xFFFF8000  }
.Ltmp6:
0xb9: {  	(pc) =	sbr.rel .LBB2_6-.Ltmp6, $4  }
0xba: {  	_ = 	snop  }
0xbb: {  	s0 =	smin.u32 s0, $0xF4080;
	s1 =	sshll.u32 s28, $0xF  }
0xbc: {  	v8 =	vmov s26;
	s0 =	ssub.s32 s7, s0;
	v9 =	vor.u32 s1, v2  }
0xbd: {  	s31 =	simm.s32 $0x0;
	v10 =	vor.u32 s1, v5;
	v11 =	vor.u32 s1, v6;
	v12 =	vor.u32 s1, v7;
	[dreg:$0x4] =	wrdreg s0  }
.LBB2_8:
0xbe: {  	s16 =	simm.s32 $0x0;
	s17 =	smov.u32 s22;
	s18 =	smov.u32 s24  }
.LBB2_13:
0xbf: {  	_ =	sdelay $0x3  }
0xc0: {  	s0 =	sadd.s32 @!p5 $0x4, s1;
	[tilespmem:v13+s6+$0x1D880] =	vst.idx.msk @p3 $0x1, v14;
	p1 =	por p1, !p3  }
0xc1: {  	v13 =	vmov s16;
	[hbm4b:s9+s2] =	stream.indirect.scatter @!p1 [tilespmem:s3], [sflag:s5], $0x80, s8, s2, $0xb8;
	[tilespmem:$0x1D980] =	vst v63  }
0xc2: {  	_ =	swait.ge @!p5 [sflag:s0], $0x800  }
0xc3: {  	s2 =	sshll.u32 @p2 s1, $0x9;
	[sflag:s0] =	ssyncset.done @!p5 $0x0  }
0xc4: {  	v14 =	vimm.s32 @p2 $0x4000;
	[sflag:s0] =	ssyncadd.s32 @!p5 $0xFFFFF800;
	s0 =	sshra.s32 @p2 s2, $0x2  }
0xc5: {  	[tilespmem:s0+$0x1D880] =	vst @p2 v14  }
0xc6: {  	v13 =	vld.idx.msk [tilespmem:v13+s23+$0x0], $0xffff;
	_ =	sdelay $0x4  }
0xc7: {  	(v2sf) =	vpush v13, $0x0;
	_ =	sdelay $0xe  }
0xc8: {  	s5 =	spop (v2sf)  }
0xc9: {  	s3 =	rddreg [dreg:$0x4];
	s4 =	sand.u32 $0x7FFF, s5  }
0xca: {  	s0 =	sadd.s32 s4, s3  }
0xcb: {  	v13 =	vmov s0  }
0xcc: {  	v14 =	vand.u32 $0x7F, v13;
	v13 =	vshll.u32 v13, $0x3  }
0xcd: {  	v13 =	vand.u32 $0xFFFFFC00, v13;
	v15 =	vor.u32 v14, v9  }
0xce: {  	v15 =	vadd.s32 v13, v15;
	_ =	sdelay $0x4  }
0xcf: {  	v16 =	vor.u32 v14, v10;
	v15 =	vld.idx.msk [tilespmem:v15+s21+$0x0], $0xffff  }
0xd0: {  	s10 =	sshll.u32 s1, $0xD;
	v16 =	vadd.s32 v13, v16  }
0xd1: {  	s0 =	sshra.s32 s10, $0x2  }
0xd2: {  	s15 =	sshra.s32 s12, $0x2;
	s0 =	sadd.s32 $0x1C880, s0  }
0xd3: {  	s4 =	sadd.s32 s15, s0  }
0xd4: {  	[tilespmem:s4+$0x0] =	vst v15  }
0xd5: {  	v15 =	vor.u32 v14, v11;
	v16 =	vld.idx.msk [tilespmem:v16+s21+$0x0], $0xffff  }
0xd6: {  	v15 =	vadd.s32 v13, v15;
	_ =	sdelay $0x3  }
0xd7: {  	[tilespmem:s4+$0x10] =	vst v16  }
0xd8: {  	v14 =	vor.u32 v14, v12;
	v15 =	vld.idx.msk [tilespmem:v15+s21+$0x0], $0xffff  }
0xd9: {  	v13 =	vadd.s32 v13, v14;
	_ =	sdelay $0x3  }
0xda: {  	[tilespmem:s4+$0x20] =	vst v15  }
0xdb: {  	v13 =	vld.idx.msk [tilespmem:v13+s21+$0x0], $0xffff  }
0xdc: {  	s16 =	sadd.s32 $0x1, s24;
	s6 =	sshll.u32 @!p2 s1, $0x9;
	v14 =	vmov s18  }
0xdd: {  	p1 =	sne.s32 s16, $0x10;
	s6 =	smov.u32 @p2 s2;
	s18 =	sshra.s32 s16, $0x1F  }
0xde: {  	s22 =	sadd.s32 @!p1 $0x1, s22;
	s1 =	sadd.s32 @!p1 $0x4, s1;
	s19 =	sshrl.u32 s18, $0x1C  }
0xdf: {  	s6 =	sshra.s32 s6, $0x2;
	s3 =	sshra.s32 s5, $0xF;
	s2 =	sadd.s32 s19, s16  }
0xe0: {  	[smem:$0x0] =	sst @!p1 s22;
	s22 =	smov.u32 @p1 s17;
	s24 =	sand.u32 $0xFFFFFFF0, s2;
	[tilespmem:s4+$0x30] =	vst v13;
	v13 =	vmov s3  }
0xe1: {  	s24 =	ssub.s32 s16, s24;
	s3 =	simm.s32 @!p1 $0x10;
	s4 =	sadd.s32 $0x1D880, s6;
	[tilespmem:v14+s6+$0x1D880] =	vst.idx.msk $0x1, v13  }
0xe2: {  	[hbm4b:s9+s3] =	stream.indirect.scatter @!p1 [tilespmem:s0], [sflag:s1], $0x80, s4, s3, $0xb8;
	[tilespmem:$0x1D980] =	vst v63  }
.LBB2_14:
0xe3: {  	s31 =	sadd.s32 $0x1, s31  }
0xe4: {  	p1 =	sne.s32 s31, s25  }
.Ltmp7:
0xe5: {  	_ = 	snop;
	(pc) =	sbr.rel @!p1 .LBB2_15-.Ltmp7, $1  }
0xe6: {  	_ =	sdelay $0x3  }
.LBB2_6:
0xe7: {  	s0 =	sshll.u32 s31, $0x6  }
0xe8: {  	s0 =	sshra.s32 s0, $0x2  }
0xe9: {  	v13 =	vld [tilespmem:s0+$0x1C000];
	_ =	sdelay $0x4  }
0xea: {  	v14 =	vshrl.u32 v13, $0x9  }
0xeb: {  	v14 =	vand.u32 $0x3F, v14  }
0xec: {  	vm0 =	veq.s32 v14, v8  }
0xed: {  	v14 =	vmpcnt.ones.xlane vm0;
	_ =	sdelay $0x1  }
0xee: {  	(v2sf) =	vpush v14, $0x0;
	_ =	sdelay $0xe  }
0xef: {  	s0 =	spop (v2sf)  }
0xf0: {  	p1 =	slt.s32 s0, $0x1  }
.Ltmp8:
0xf1: {  	_ = 	snop;
	(pc) =	sbr.rel @p1 .LBB2_14-.Ltmp8, $2  }
0xf2: {  	_ =	sdelay $0x2  }
0xf3: {  	[tilespmem:s23+$0x0] =	vst.msk vm0, v13  }
0xf4: {  	p1 =	sne.s32 s0, $0x1  }
.Ltmp9:
0xf5: {  	_ = 	snop;
	(pc) =	sbr.rel @!p1 .LBB2_8-.Ltmp9, $4  }
0xf6: {  	s1 =	sshrl.u32 s22, $0x1F  }
0xf7: {  	s16 =	simm.s32 $0x1;
	p2 =	seq.s32 s24, $0x0;
	s1 =	sadd.s32 s1, s22  }
0xf8: {  	s12 =	sshll.u32 s24, $0x9;
	p3 =	slt.s32 @p2 s22, $0x2;
	s1 =	sand.u32 $0xFFFFFFFE, s1  }
0xf9: {  	p5 =	por p3, !p2;
	p3 =	por $0x0, $0x0;
	s1 =	ssub.s32 s22, s1  }
0xfa: {  	s2 =	sadd.s32 @!p5 $0x4, s1;
	v13 =	vmov s30  }
0xfb: {  	_ =	swait.ge @!p5 [sflag:s2], $0x800  }
0xfc: {  	s5 =	sshll.u32 @p2 s1, $0x9;
	[sflag:s2] =	ssyncset.done @!p5 $0x0  }
0xfd: {  	v14 =	vimm.s32 @p2 $0x4000;
	[sflag:s2] =	ssyncadd.s32 @!p5 $0xFFFFF800;
	s2 =	sshra.s32 @p2 s5, $0x2  }
0xfe: {  	[tilespmem:s2+$0x1D880] =	vst @p2 v14  }
0xff: {  	v13 =	vld.idx.msk [tilespmem:v13+s23+$0x0], $0xffff;
	_ =	sdelay $0x4  }
0x100: {  	(v2sf) =	vpush v13, $0x0;
	_ =	sdelay $0xe  }
0x101: {  	s6 =	spop (v2sf)  }
0x102: {  	s8 =	rddreg [dreg:$0x4];
	s3 =	sand.u32 $0x7FFF, s6  }
0x103: {  	s2 =	sadd.s32 s3, s8  }
0x104: {  	v13 =	vmov s2  }
0x105: {  	v14 =	vand.u32 $0x7F, v13;
	v13 =	vshll.u32 v13, $0x3  }
0x106: {  	v13 =	vand.u32 $0xFFFFFC00, v13;
	v15 =	vor.u32 v14, v9  }
0x107: {  	v15 =	vadd.s32 v13, v15;
	_ =	sdelay $0x4  }
0x108: {  	v16 =	vor.u32 v14, v10;
	v15 =	vld.idx.msk [tilespmem:v15+s21+$0x0], $0xffff  }
0x109: {  	s10 =	sshll.u32 s1, $0xD;
	v16 =	vadd.s32 v13, v16  }
0x10a: {  	s2 =	sshra.s32 s10, $0x2  }
0x10b: {  	s12 =	sshra.s32 s12, $0x2;
	s3 =	sadd.s32 $0x1C880, s2  }
0x10c: {  	s8 =	sadd.s32 s12, s3  }
0x10d: {  	[tilespmem:s8+$0x0] =	vst v15  }
0x10e: {  	v15 =	vor.u32 v14, v11;
	v16 =	vld.idx.msk [tilespmem:v16+s21+$0x0], $0xffff  }
0x10f: {  	v15 =	vadd.s32 v13, v15;
	_ =	sdelay $0x3  }
0x110: {  	[tilespmem:s8+$0x10] =	vst v16  }
0x111: {  	v14 =	vor.u32 v14, v12;
	v15 =	vld.idx.msk [tilespmem:v15+s21+$0x0], $0xffff  }
0x112: {  	s15 =	sadd.s32 $0x1, s24;
	v13 =	vadd.s32 v13, v14  }
0x113: {  	s19 =	simm.s32 $0x2;
	s4 =	sshra.s32 s15, $0x1F;
	p1 =	sne.s32 s15, $0x10  }
0x114: {  	s17 =	sshll.u32 @!p2 s1, $0x9;
	s18 =	sshrl.u32 s4, $0x1C;
	s4 =	sadd.s32 @!p1 $0x1, s22  }
0x115: {  	p4 =	sne.s32 s0, $0x2;
	[smem:$0x0] =	sst @!p1 s4;
	s4 =	smov.u32 @p1 s22  }
0x116: {  	s17 =	smov.u32 @p2 s5;
	s22 =	sshrl.u32 s4, $0x1F;
	s12 =	sadd.s32 s18, s15;
	[tilespmem:s8+$0x20] =	vst v15  }
0x117: {  	s5 =	sadd.s32 @!p1 $0x4, s1;
	s10 =	sadd.s32 s22, s4;
	s12 =	sand.u32 $0xFFFFFFF0, s12;
	v14 =	vld.idx.msk [tilespmem:v13+s21+$0x0], $0xffff  }
.Ltmp10:
0x118: {  	s2 =	simm.s32 @!p1 $0x10;
	s15 =	ssub.s32 s15, s12;
	(pc) =	sbr.rel @!p4 .LBB2_10-.Ltmp10, $4  }
0x119: {  	s22 =	sand.u32 $0xFFFFFFFE, s10;
	s18 =	sshra.s32 s6, $0xF;
	p2 =	seq.s32 s15, $0x0  }
0x11a: {  	s6 =	sshra.s32 s17, $0x2;
	s1 =	ssub.s32 s4, s22;
	p3 =	slt.s32 @p2 s4, $0x2  }
0x11b: {  	s17 =	smov.u32 s4;
	s12 =	sshll.u32 s15, $0x9;
	p5 =	por p3, !p2  }
0x11c: {  	p3 =	por $0x1, $0x1;
	v13 =	vmov s24;
	[tilespmem:s8+$0x30] =	vst v14;
	v14 =	vmov s18;
	s8 =	sadd.s32 $0x1D880, s6;
	s18 =	smov.u32 s15  }
.LBB2_11:
0x11d: {  	_ =	sdelay $0x3  }
0x11e: {  	s10 =	smov.u32 s4;
	s4 =	sadd.s32 @!p5 $0x4, s1;
	[tilespmem:v13+s6+$0x1D880] =	vst.idx.msk $0x1, v14  }
0x11f: {  	v13 =	vmov s16;
	[hbm4b:s9+s2] =	stream.indirect.scatter @!p1 [tilespmem:s3], [sflag:s5], $0x80, s8, s2, $0xb8;
	[tilespmem:$0x1D980] =	vst v63  }
0x120: {  	_ =	swait.ge @!p5 [sflag:s4], $0x800  }
0x121: {  	s3 =	sshll.u32 @p2 s1, $0x9;
	[sflag:s4] =	ssyncset.done @!p5 $0x0  }
0x122: {  	v14 =	vimm.s32 @p2 $0x4000;
	[sflag:s4] =	ssyncadd.s32 @!p5 $0xFFFFF800;
	s4 =	sshra.s32 @p2 s3, $0x2  }
0x123: {  	[tilespmem:s4+$0x1D880] =	vst @p2 v14  }
0x124: {  	v13 =	vld.idx.msk [tilespmem:v13+s23+$0x0], $0xffff;
	_ =	sdelay $0x4  }
0x125: {  	(v2sf) =	vpush v13, $0x0;
	_ =	sdelay $0xa  }
0x126: {  	s24 =	smov.u32 s17;
	s15 =	sadd.s32 $0x1, s15  }
0x127: {  	s6 =	smov.u32 s19;
	s22 =	sshll.u32 @!p2 s1, $0x9;
	p1 =	sne.s32 s15, $0x10  }
0x128: {  	s16 =	sshra.s32 s15, $0x1F;
	s17 =	sadd.s32 @!p1 $0x1, s10;
	s22 =	smov.u32 @p2 s3  }
0x129: {  	s5 =	sshrl.u32 s16, $0x1C;
	s16 =	smov.u32 s6;
	s6 =	rddreg [dreg:$0x4]  }
0x12a: {  	s3 =	sadd.s32 s5, s15;
	s4 =	smov.u32 s17;
	s8 =	spop (v2sf)  }
0x12b: {  	s3 =	sand.u32 $0xFFFFFFF0, s3;
	s4 =	smov.u32 @p1 s10;
	s10 =	sand.u32 $0x7FFF, s8  }
0x12c: {  	s15 =	ssub.s32 s15, s3;
	s3 =	sadd.s32 s10, s6  }
0x12d: {  	v13 =	vmov s3  }
0x12e: {  	v14 =	vand.u32 $0x7F, v13;
	v13 =	vshll.u32 v13, $0x3  }
0x12f: {  	v13 =	vand.u32 $0xFFFFFC00, v13;
	v15 =	vor.u32 v14, v9  }
0x130: {  	v15 =	vadd.s32 v13, v15;
	_ =	sdelay $0x3  }
0x131: {  	v16 =	vor.u32 v14, v10;
	v17 =	vor.u32 v14, v11;
	v14 =	vor.u32 v14, v12  }
0x132: {  	[smem:$0x0] =	sst @!p1 s17;
	v16 =	vadd.s32 v13, v16;
	v17 =	vadd.s32 v13, v17;
	v13 =	vadd.s32 v13, v14;
	v14 =	vld.idx.msk [tilespmem:v15+s21+$0x0], $0xffff  }
0x133: {  	s17 =	smov.u32 @p1 s24;
	s24 =	sshra.s32 s8, $0xF;
	s8 =	sshll.u32 s1, $0xD  }
0x134: {  	s3 =	sshra.s32 s8, $0x2  }
0x135: {  	s10 =	sshra.s32 s12, $0x2;
	s3 =	sadd.s32 $0x1C880, s3  }
0x136: {  	s8 =	sadd.s32 s10, s3  }
0x137: {  	[tilespmem:s8+$0x0] =	vst v14  }
0x138: {  	v14 =	vld.idx.msk [tilespmem:v16+s21+$0x0], $0xffff;
	_ =	sdelay $0x4  }
0x139: {  	[tilespmem:s8+$0x10] =	vst v14  }
0x13a: {  	v14 =	vld.idx.msk [tilespmem:v17+s21+$0x0], $0xffff;
	_ =	sdelay $0x4  }
0x13b: {  	s19 =	sadd.s32 $0x1, s19;
	[tilespmem:s8+$0x20] =	vst v14  }
0x13c: {  	p4 =	sne.s32 s0, s19;
	v14 =	vld.idx.msk [tilespmem:v13+s21+$0x0], $0xffff  }
.Ltmp11:
0x13d: {  	s5 =	sadd.s32 @!p1 $0x4, s1;
	p2 =	seq.s32 s15, $0x0;
	(pc) =	sbr.rel @p4 .LBB2_11-.Ltmp11, $4  }
0x13e: {  	s2 =	sshll.u32 s15, $0x9;
	p5 =	slt.s32 @p2 s4, $0x2;
	s6 =	sshrl.u32 s4, $0x1F  }
0x13f: {  	p5 =	por p5, !p2;
	s12 =	smov.u32 s2;
	s10 =	sadd.s32 s6, s4  }
0x140: {  	s2 =	simm.s32 @!p1 $0x10;
	s6 =	sshra.s32 s22, $0x2;
	s10 =	sand.u32 $0xFFFFFFFE, s10  }
0x141: {  	s1 =	ssub.s32 s4, s10;
	v13 =	vmov s18;
	s18 =	smov.u32 s15;
	[tilespmem:s8+$0x30] =	vst v14;
	v14 =	vmov s24;
	s8 =	sadd.s32 $0x1D880, s6  }
.Ltmp12:
0x142: {  	(pc) =	sbr.rel .LBB2_13-.Ltmp12, $2  }
0x143: {  	_ =	sdelay $0x2  }
0x144: {  	s24 =	smov.u32 s15;
	s22 =	smov.u32 s4  }
.LBB2_10:
.Ltmp13:
0x145: {  	(pc) =	sbr.rel .LBB2_13-.Ltmp13, $3  }
0x146: {  	_ =	sdelay $0x1  }
0x147: {  	s24 =	smov.u32 s15  }
0x148: {  	s22 =	smov.u32 s4;
	s17 =	smov.u32 s4;
	s18 =	smov.u32 s15  }
.LBB2_17:
0x149: {  	_ =	sfence.sel $0x180000  }
0x14a: {  	[bflag:$0x0] =	sbarrier.arrive $0xFFFF  }
0x14b: {  	_ =	strace $0x90000047  }
0x14c: {  	s0 =	stileid.u32;
	[bflag:$0x2] =	sbarrier.arrive $0xFFFF  }
0x14d: {  	p0 =	sne.s32 s0, $0x0;
	s0 =	rddreg [dreg:$0x3]  }
0x14e: {  	s0 =	sadd.s32 @!p0 $0x100000, s0  }
0x14f: {  	[sflag:s0] =	ssyncadd.tile.s32 @!p0 $0x1;
	_ =	shalt  }
.Lfunc_end2:
_tile_overlayer_lowered:
.L_overlay_start_2:
0x150: {  	(tag) =	ssettag $0x2  }
0x151: {  	s0 =	rddreg [dreg:$0x0];
	s2 =	stileid.u32  }
0x152: {  	s1 =	rddreg [dreg:$0x1];
	p0 =	sne.s32 s2, $0x0  }
0x153: {  	s3 =	rddreg [dreg:$0x2];
	[bflag:$0x3] =	sbarrier.arrive $0xFFFF;
	s2 =	simm.s32 @!p0 $0x1C06  }
0x154: {  	[timem:s3], [sflag:s2] =	dma.local @!p0 [hbm:s0], s1  }
0x155: {  	s0 =	simm.s32 @!p0 $0x6  }
0x156: {  	_ =	swait.ge @!p0 [sflag:s0], s1  }
0x157: {  	s1 =	ssub.s32 @!p0 $0x0, s1;
	[sflag:s0] =	ssyncset.done @!p0 $0x0  }
0x158: {  	[sflag:s0] =	ssyncadd.s32 @!p0 s1  }
0x159: {  	[bflag:$0x3] =	sbarrier.arrive $0xFFFF  }
0x15a: {  	_ =	shalt  }

</sc_bundles>
